<compile_context>
chip_gen: v7x
topology: tpu7x:2x2x1
jax: 0.10.2.dev20260603
libtpu: 0.0.44.dev20260713+nightly
codegen_flags: <defaults>
</compile_context>

<pallas_src>
import functools

import jax
import jax.numpy as jnp
from jax import lax
from jax.experimental import pallas as pl
from jax.experimental.pallas import tpu as pltpu
from jax.experimental.pallas import tpu_sc as plsc

N = 10000
E = 320000
D = 128
NC = 2
NS = 16
NW = NC * NS
PT = E // NW
CH = 80
NCH = PT // CH
NB = 4


def _degree_hist(dst):
    mesh = plsc.VectorSubcoreMesh(core_axis_name="c", subcore_axis_name="s")

    @functools.partial(
        pl.kernel,
        out_type=jax.ShapeDtypeStruct((NW, 1, N), jnp.float32),
        mesh=mesh,
        compiler_params=pltpu.CompilerParams(needs_layout_passes=False),
        scratch_types=[
            pltpu.VMEM((PT,), jnp.int32),
            pltpu.VMEM((1, N), jnp.float32),
        ],
    )
    def k(dst_hbm, dp_hbm, didx, deg_v):
        cid = lax.axis_index("c")
        sid = lax.axis_index("s")
        wid = cid * NS + sid

        def zbody(i, c):
            deg_v[0, pl.ds(pl.multiple_of(i * 16, 16), 16)] = (
                jnp.zeros((16,), jnp.float32))
            return c

        lax.fori_loop(0, N // 16, zbody, 0)
        base = pl.multiple_of(wid * PT, 8)
        pltpu.sync_copy(dst_hbm.at[pl.ds(base, PT)], didx)

        zeros16 = jnp.zeros((16,), jnp.int32)
        ones16 = jnp.ones((16,), jnp.float32)

        def body(i, c):
            idx = didx[pl.ds(pl.multiple_of(i * 16, 16), 16)]
            plsc.addupdate_scatter(deg_v, [zeros16, idx], ones16)
            return c

        lax.fori_loop(0, PT // 16, body, 0)
        pltpu.sync_copy(deg_v, dp_hbm.at[wid])

    return k(dst)


def _scale_rows(dp, x):
    BN = 128
    grid = (N + BN - 1) // BN

    def body(dp_ref, x_ref, dis_ref, y_ref):
        deg = jnp.sum(dp_ref[...], axis=0) + 1.0
        dl = lax.rsqrt(deg)
        row = lax.broadcasted_iota(jnp.int32, (BN, BN), 0)
        col = lax.broadcasted_iota(jnp.int32, (BN, BN), 1)
        ident = (row == col).astype(jnp.float32)
        dis_col = lax.dot_general(ident, dl, (((1,), (1,)), ((), ())),
                                  preferred_element_type=jnp.float32)
        dis_ref[...] = dis_col
        y_ref[...] = x_ref[...] * dis_col

    return pl.pallas_call(
        body,
        grid=(grid,),
        in_specs=[
            pl.BlockSpec((NW, 1, BN), lambda i: (0, 0, i)),
            pl.BlockSpec((BN, D), lambda i: (i, 0)),
        ],
        out_specs=[
            pl.BlockSpec((BN, 1), lambda i: (i, 0)),
            pl.BlockSpec((BN, D), lambda i: (i, 0)),
        ],
        out_shape=[
            jax.ShapeDtypeStruct((N, 1), jnp.float32),
            jax.ShapeDtypeStruct((N, D), jnp.float32),
        ],
    )(dp, x)


def _aggregate(src, dst, y, zeros_z):
    rpt = 624
    tail = N - NS * rpt
    mesh = plsc.VectorSubcoreMesh(core_axis_name="c", subcore_axis_name="s")

    @functools.partial(
        pl.kernel,
        out_type=jax.ShapeDtypeStruct((NC, N, D), jnp.float32),
        mesh=mesh,
        scratch_types=[
            pltpu.VMEM((NB, CH), jnp.int32),
            pltpu.VMEM((NB, CH), jnp.int32),
            pltpu.VMEM((NB, CH, D), jnp.float32),
            pltpu.VMEM_SHARED((N, D), jnp.float32),
            [pltpu.SemaphoreType.DMA] * NB,
            [pltpu.SemaphoreType.DMA] * NB,
            [pltpu.SemaphoreType.DMA] * NB,
        ],
    )
    def k(src_hbm, dst_hbm, y_hbm, zeros_hbm, zp_hbm,
          sidx, didx, rows, zsp, sem_i, sem_g, sem_s):
        cid = lax.axis_index("c")
        sid = lax.axis_index("s")
        wid = cid * NS + sid
        r0 = pl.multiple_of(sid * rpt, 8)
        pltpu.sync_copy(zeros_hbm.at[pl.ds(r0, rpt)], zsp.at[pl.ds(r0, rpt)])

        @pl.when(sid == NS - 1)
        def _():
            pltpu.sync_copy(zeros_hbm.at[pl.ds(NS * rpt, tail)],
                            zsp.at[pl.ds(NS * rpt, tail)])

        plsc.subcore_barrier()

        def chunk_slice(hbm, g):
            base = pl.multiple_of(wid * PT, 8) + pl.multiple_of(g * CH, 8)
            return hbm.at[pl.ds(base, CH)]

        def idx_load(g, b):
            pltpu.async_copy(chunk_slice(src_hbm, g), sidx.at[b], sem_i[b])
            pltpu.async_copy(chunk_slice(dst_hbm, g), didx.at[b], sem_i[b])

        def idx_wait(g, b):
            pltpu.make_async_copy(chunk_slice(src_hbm, g), sidx.at[b],
                                  sem_i[b]).wait()
            pltpu.make_async_copy(chunk_slice(dst_hbm, g), didx.at[b],
                                  sem_i[b]).wait()

        def gather(g, b):
            pltpu.async_copy(y_hbm.at[sidx.at[b]], rows.at[b], sem_g[b])

        def gather_wait(b):
            pltpu.make_async_copy(y_hbm.at[sidx.at[b]], rows.at[b],
                                  sem_g[b]).wait()

        def scatter(g, b):
            pltpu.async_copy(rows.at[b], zsp.at[didx.at[b]], sem_s[b],
                             add=True)

        def scatter_wait(b):
            pltpu.make_async_copy(rows.at[b], zsp.at[didx.at[0]],
                                  sem_s[b]).wait()

        idx_load(0, 0)
        idx_load(1, 1)
        idx_wait(0, 0)
        gather(0, 0)

        def visit(v, b):
            gather_wait(b)
            scatter(v, b)

            @pl.when(v >= 2)
            def _():
                scatter_wait((b + 2) % NB)

            @pl.when(v + 2 < NCH)
            def _():
                idx_load(v + 2, (b + 2) % NB)

            @pl.when(v + 1 < NCH)
            def _():
                idx_wait(v + 1, (b + 1) % NB)
                gather(v + 1, (b + 1) % NB)

        def body(t, carry):
            for b in range(NB):
                visit(t * NB + b, b)
            return carry

        lax.fori_loop(0, (NCH - 1) // NB, body, 0)
        visit(NCH - 1, (NCH - 1) % NB)
        for q in range(2):
            scatter_wait((NCH - 2 + q) % NB)

        plsc.subcore_barrier()
        pltpu.sync_copy(zsp.at[pl.ds(r0, rpt)],
                        zp_hbm.at[cid].at[pl.ds(r0, rpt)])

        @pl.when(sid == NS - 1)
        def _():
            pltpu.sync_copy(zsp.at[pl.ds(NS * rpt, tail)],
                            zp_hbm.at[cid].at[pl.ds(NS * rpt, tail)])

    return k(src, dst, y, zeros_z)


def _dense_cell(zp, y, dis, h, Wz, bz2, Wr, br2, Wh, bh2,
                Lz, lbz2, Lr, lbr2, Lh, lbh2, Wo, bo2):
    BN = 1000
    grid = N // BN
    f32 = jnp.float32

    def body(zp_ref, y_ref, dis_ref, h_ref, Wz_ref, bz_ref, Wr_ref, br_ref,
             Wh_ref, bh_ref, Lz_ref, lbz_ref, Lr_ref, lbr_ref, Lh_ref,
             lbh_ref, Wo_ref, bo_ref, out_ref, hn_ref):
        z = zp_ref[0] + zp_ref[1] + y_ref[...]
        agg = dis_ref[...] * z
        h_blk = h_ref[...]
        Lz_m = Lz_ref[...]
        Lr_m = Lr_ref[...]
        Lh_m = Lh_ref[...]

        def gate(W_ref, b_ref, L, lb_ref, hh):
            A = jnp.dot(W_ref[...], L[:D], preferred_element_type=f32)
            cb = jnp.dot(b_ref[...], L[:D], preferred_element_type=f32) + lb_ref[...]
            return (jnp.dot(agg, A, preferred_element_type=f32)
                    + jnp.dot(hh, L[D:], preferred_element_type=f32) + cb)

        Zg = jax.nn.sigmoid(gate(Wz_ref, bz_ref, Lz_m, lbz_ref, h_blk))
        Rg = jax.nn.sigmoid(gate(Wr_ref, br_ref, Lr_m, lbr_ref, h_blk))
        Ht = jnp.tanh(gate(Wh_ref, bh_ref, Lh_m, lbh_ref, h_blk * Rg))
        hn = Zg * h_blk + (1.0 - Zg) * Ht
        hn_ref[...] = hn
        out_ref[...] = jax.nn.sigmoid(
            jnp.dot(hn, Wo_ref[...], preferred_element_type=f32) + bo_ref[...])

    full = lambda shape: pl.BlockSpec(shape, lambda i: tuple(0 for _ in shape))
    return pl.pallas_call(
        body,
        grid=(grid,),
        in_specs=[
            pl.BlockSpec((NC, BN, D), lambda i: (0, i, 0)),
            pl.BlockSpec((BN, D), lambda i: (i, 0)),
            pl.BlockSpec((BN, 1), lambda i: (i, 0)),
            pl.BlockSpec((BN, D), lambda i: (i, 0)),
            full((D, D)), full((1, D)),
            full((D, D)), full((1, D)),
            full((D, D)), full((1, D)),
            full((2 * D, D)), full((1, D)),
            full((2 * D, D)), full((1, D)),
            full((2 * D, D)), full((1, D)),
            full((D, 1)), full((1, 1)),
        ],
        out_specs=[
            pl.BlockSpec((BN, 1), lambda i: (i, 0)),
            pl.BlockSpec((BN, D), lambda i: (i, 0)),
        ],
        out_shape=[
            jax.ShapeDtypeStruct((N, 1), jnp.float32),
            jax.ShapeDtypeStruct((N, D), jnp.float32),
        ],
    )(zp, y, dis, h, Wz, bz2, Wr, br2, Wh, bh2, Lz, lbz2, Lr, lbr2, Lh, lbh2,
      Wo, bo2)


def kernel(x, edge_index, h, Wz, bz, Wr, br, Wh, bh,
           Lz, lbz, Lr, lbr, Lh, lbh, Wo, bo):
    ei = edge_index.astype(jnp.int32)
    srcs = ei[0]
    dsts = ei[1]

    zeros_z = jnp.zeros((N, D), jnp.float32)

    dp = _degree_hist(dsts)
    dis, y = _scale_rows(dp, x)
    zp = _aggregate(srcs, dsts, y, zeros_z)
    out, hn = _dense_cell(
        zp, y, dis, h,
        Wz, bz[None, :], Wr, br[None, :], Wh, bh[None, :],
        Lz, lbz[None, :], Lr, lbr[None, :], Lh, lbh[None, :],
        Wo, bo[None, :])
    return (out, hn)

# --- scband reference (transcript-rebuilt; emitter-appended) ---
"""Pipeline reference for scband-my-tcgn-36756330120101 (READ-ONLY COPY).

The authoritative reference and input builder live on the scoring server;
editing this copy changes nothing except your own understanding.
"""

import jax, jax.numpy as jnp
import numpy as np

N = 10000
E = 320000
D_IN = 128
D_OUT = 128


def gcn_conv(x, src, dst, W, b):
    # PyG GCNConv: X' = D^{-1/2} (A + I) D^{-1/2} X W + b
    n = x.shape[0]
    xw = x @ W
    loop = jnp.arange(n)
    s = jnp.concatenate([src, loop])
    d = jnp.concatenate([dst, loop])
    deg = jnp.zeros((n,), x.dtype).at[d].add(jnp.ones((s.shape[0],), x.dtype))
    dis = jnp.where(deg > 0, jax.lax.rsqrt(jnp.maximum(deg, 1e-12)), 0.0)
    norm = dis[s] * dis[d]
    out = jnp.zeros((n, W.shape[1]), x.dtype).at[d].add(xw[s] * norm[:, None])
    return out + b


def setup_inputs(seed: int = 0):
    key = jax.random.key(seed)
    ks = jax.random.split(key, 20)
    inp = {}
    inp['x'] = jax.random.normal(ks[0], (N, D_IN), jnp.float32)
    inp['edge_index'] = jax.random.randint(ks[1], (2, E), 0, N)
    inp['h'] = jax.random.normal(ks[2], (N, D_OUT), jnp.float32)
    sc = 0.05
    # GCN gate conv weights (z, r, h gates)
    inp['Wz'] = jax.random.normal(ks[3], (D_IN, D_OUT), jnp.float32) * sc
    inp['bz'] = jnp.zeros((D_OUT,), jnp.float32)
    inp['Wr'] = jax.random.normal(ks[4], (D_IN, D_OUT), jnp.float32) * sc
    inp['br'] = jnp.zeros((D_OUT,), jnp.float32)
    inp['Wh'] = jax.random.normal(ks[5], (D_IN, D_OUT), jnp.float32) * sc
    inp['bh'] = jnp.zeros((D_OUT,), jnp.float32)
    # gate linear layers: Linear(2*out_channels, out_channels)
    inp['Lz'] = jax.random.normal(ks[6], (2 * D_OUT, D_OUT), jnp.float32) * sc
    inp['lbz'] = jnp.zeros((D_OUT,), jnp.float32)
    inp['Lr'] = jax.random.normal(ks[7], (2 * D_OUT, D_OUT), jnp.float32) * sc
    inp['lbr'] = jnp.zeros((D_OUT,), jnp.float32)
    inp['Lh'] = jax.random.normal(ks[8], (2 * D_OUT, D_OUT), jnp.float32) * sc
    inp['lbh'] = jnp.zeros((D_OUT,), jnp.float32)
    # output head Linear(out_channels, 1)
    inp['Wo'] = jax.random.normal(ks[9], (D_OUT, 1), jnp.float32) * sc
    inp['bo'] = jnp.zeros((1,), jnp.float32)
    return inp


def reference(x, edge_index, h, Wz, bz, Wr, br, Wh, bh, Lz, lbz, Lr, lbr, Lh, lbh, Wo, bo):
    src = edge_index[0]
    dst = edge_index[1]
    # TGCN GRU-style cell
    cz = gcn_conv(x, src, dst, Wz, bz)
    Z = jax.nn.sigmoid(jnp.concatenate([cz, h], axis=1) @ Lz + lbz)
    cr = gcn_conv(x, src, dst, Wr, br)
    R = jax.nn.sigmoid(jnp.concatenate([cr, h], axis=1) @ Lr + lbr)
    ch = gcn_conv(x, src, dst, Wh, bh)
    H_tilde = jnp.tanh(jnp.concatenate([ch, h * R], axis=1) @ Lh + lbh)
    h_new = Z * h + (1.0 - Z) * H_tilde
    out = jax.nn.sigmoid(h_new @ Wo + bo)
    return (out, h_new)

if __name__ == "__main__":
    import jax
    _d = setup_inputs()
    print(jax.jit(kernel)(*tuple(_d.values())))

</pallas_src>

<mosaic_0001>
#map = affine_map<(d0, d1) -> (0)>
#map1 = affine_map<(d0, d1) -> (0, 0, 0)>
module attributes {stable_mosaic.version = 14 : i64} {
  func.func @k(%arg0: i32, %arg1: i32, %arg2: memref<320000xi32, #tpu.memory_space<hbm>>, %arg3: memref<32x1x10000xf32, #tpu.memory_space<hbm>>, %arg4: memref<10000xi32, #tpu.memory_space<vmem>>, %arg5: memref<1x10000xf32, #tpu.memory_space<vmem>>) attributes {dimension_semantics = [#tpu.dimension_semantics<core_parallel>, #tpu.dimension_semantics<subcore_parallel>], iteration_bounds = array<i64: 2, 16>, scalar_prefetch = 0 : i64, scratch_operands = 2 : i64, tpu.core_type = #tpu.core_type<sc_vector_subcore>, window_params = [{transform_indices = #map}, {transform_indices = #map1}]} {
    %mul3A = arith.constant 16 : i32
    %mul3A_0 = arith.muli %arg0, %mul3A : i32
    %add3A = arith.addi %mul3A_0, %arg1 : i32
    %scan3A = arith.constant 0 : i32
    %scan3A_1 = arith.constant 0 : i32
    %scan3A_2 = arith.constant 625 : i32
    %scan3A_3 = arith.addi %scan3A_1, %scan3A_2 : i32
    %scan3A_4 = arith.constant 1 : i32
    scf.for %scan3A_17 = %scan3A_1 to %scan3A_3 step %scan3A_4  : i32 {
      %broadcast_in_dim3A_18 = arith.constant 0.000000e+00 : f32
      %broadcast_in_dim3A_19 = vector.broadcast %broadcast_in_dim3A_18 : f32 to vector<16xf32>
      %mul3A_20 = arith.constant 16 : i32
      %mul3A_21 = arith.muli %scan3A_17, %mul3A_20 : i32
      %multiple_of3A_22 = tpu.assume_multiple %mul3A_21, 16 : i32
      %swap3A = arith.constant 0 : i32
      %swap3A_23 = arith.index_cast %swap3A : i32 to index
      %swap3A_24 = arith.index_cast %multiple_of3A_22 : i32 to index
      %swap3A_25 = tpu.vector_load %arg5[%swap3A_23, %swap3A_24] {strides = array<i32>} : memref<1x10000xf32, #tpu.memory_space<vmem>>, vector<16xf32>,
      tpu.vector_store %arg5[%swap3A_23, %swap3A_24], %broadcast_in_dim3A_19 {strides = array<i32>} : memref<1x10000xf32, #tpu.memory_space<vmem>>, vector<16xf32>,
    }
    %scan3A_5 = arith.constant 625 : i32
    %mul3A_6 = arith.constant 10000 : i32
    %mul3A_7 = arith.muli %add3A, %mul3A_6 : i32
    %multiple_of3A = tpu.assume_multiple %mul3A_7, 8 : i32
    "tpu.region"() ({
      %run_scoped3A = tpu.sem_alloc : memref<!tpu.dma_semaphore, #tpu.memory_space<semaphore_mem>>
      %dma_start3A = tpu.memref_slice %arg2[%multiple_of3A] : memref<320000xi32, #tpu.memory_space<hbm>> -> memref<10000xi32, #tpu.memory_space<hbm>>
      %dma_start3A_17 = tpu.memref_slice %arg2[%multiple_of3A] : memref<320000xi32, #tpu.memory_space<hbm>> -> memref<10000xi32, #tpu.memory_space<hbm>>
      tpu.enqueue_dma source(%dma_start3A_17 : memref<10000xi32, #tpu.memory_space<hbm>>) target(%arg4 : memref<10000xi32, #tpu.memory_space<vmem>>) target_semaphore(%run_scoped3A : memref<!tpu.dma_semaphore, #tpu.memory_space<semaphore_mem>>)
      %dma_wait3A = tpu.memref_slice %arg2[%multiple_of3A] : memref<320000xi32, #tpu.memory_space<hbm>> -> memref<10000xi32, #tpu.memory_space<hbm>>
      %dma_wait3A_18 = tpu.memref_slice %arg2[%multiple_of3A] : memref<320000xi32, #tpu.memory_space<hbm>> -> memref<10000xi32, #tpu.memory_space<hbm>>
      tpu.wait_dma2 semaphore(%run_scoped3A : memref<!tpu.dma_semaphore, #tpu.memory_space<semaphore_mem>>) src(%dma_wait3A_18 : memref<10000xi32, #tpu.memory_space<hbm>>) dst(%arg4 : memref<10000xi32, #tpu.memory_space<vmem>>)
      tpu.yield
    }) : () -> ()
    %broadcast_in_dim3A = arith.constant 0 : i32
    %broadcast_in_dim3A_8 = vector.broadcast %broadcast_in_dim3A : i32 to vector<16xi32>
    %broadcast_in_dim3A_9 = arith.constant 1.000000e+00 : f32
    %broadcast_in_dim3A_10 = vector.broadcast %broadcast_in_dim3A_9 : f32 to vector<16xf32>
    %scan3A_11 = arith.constant 0 : i32
    %scan3A_12 = arith.constant 0 : i32
    %scan3A_13 = arith.constant 625 : i32
    %scan3A_14 = arith.addi %scan3A_12, %scan3A_13 : i32
    %scan3A_15 = arith.constant 1 : i32
    scf.for %scan3A_17 = %scan3A_12 to %scan3A_14 step %scan3A_15  : i32 {
      %mul3A_18 = arith.constant 16 : i32
      %mul3A_19 = arith.muli %scan3A_17, %mul3A_18 : i32
      %multiple_of3A_20 = tpu.assume_multiple %mul3A_19, 16 : i32
      %get3A = arith.index_cast %multiple_of3A_20 : i32 to index
      %get3A_21 = tpu.vector_load %arg4[%get3A] {strides = array<i32>} : memref<10000xi32, #tpu.memory_space<vmem>>, vector<16xi32>,
      tpu.vector_store_idx %arg5[%broadcast_in_dim3A_8, %get3A_21], %broadcast_in_dim3A_10 {add = true} : memref<1x10000xf32, #tpu.memory_space<vmem>>[vector<16xi32>, vector<16xi32>], vector<16xf32>,
    }
    %scan3A_16 = arith.constant 625 : i32
    "tpu.region"() ({
      %run_scoped3A = tpu.sem_alloc : memref<!tpu.dma_semaphore, #tpu.memory_space<semaphore_mem>>
      %dma_start3A = arith.constant 0 : i32
      %dma_start3A_17 = arith.constant 0 : i32
      %dma_start3A_18 = tpu.memref_slice %arg3[%add3A, %dma_start3A, %dma_start3A_17] : memref<32x1x10000xf32, #tpu.memory_space<hbm>> -> memref<1x1x10000xf32, #tpu.memory_space<hbm>>
      %dma_start3A_19 = tpu.memref_squeeze %dma_start3A_18 : memref<1x1x10000xf32, #tpu.memory_space<hbm>> -> memref<1x10000xf32, #tpu.memory_space<hbm>>
      %dma_start3A_20 = arith.constant 0 : i32
      %dma_start3A_21 = arith.constant 0 : i32
      %dma_start3A_22 = tpu.memref_slice %arg3[%add3A, %dma_start3A_20, %dma_start3A_21] : memref<32x1x10000xf32, #tpu.memory_space<hbm>> -> memref<1x1x10000xf32, #tpu.memory_space<hbm>>
      %dma_start3A_23 = tpu.memref_squeeze %dma_start3A_22 : memref<1x1x10000xf32, #tpu.memory_space<hbm>> -> memref<1x10000xf32, #tpu.memory_space<hbm>>
      tpu.enqueue_dma source(%arg5 : memref<1x10000xf32, #tpu.memory_space<vmem>>) target(%dma_start3A_23 : memref<1x10000xf32, #tpu.memory_space<hbm>>) target_semaphore(%run_scoped3A : memref<!tpu.dma_semaphore, #tpu.memory_space<semaphore_mem>>)
      %dma_wait3A = arith.constant 0 : i32
      %dma_wait3A_24 = arith.constant 0 : i32
      %dma_wait3A_25 = tpu.memref_slice %arg3[%add3A, %dma_wait3A, %dma_wait3A_24] : memref<32x1x10000xf32, #tpu.memory_space<hbm>> -> memref<1x1x10000xf32, #tpu.memory_space<hbm>>
      %dma_wait3A_26 = tpu.memref_squeeze %dma_wait3A_25 : memref<1x1x10000xf32, #tpu.memory_space<hbm>> -> memref<1x10000xf32, #tpu.memory_space<hbm>>
      %dma_wait3A_27 = arith.constant 0 : i32
      %dma_wait3A_28 = arith.constant 0 : i32
      %dma_wait3A_29 = tpu.memref_slice %arg3[%add3A, %dma_wait3A_27, %dma_wait3A_28] : memref<32x1x10000xf32, #tpu.memory_space<hbm>> -> memref<1x1x10000xf32, #tpu.memory_space<hbm>>
      %dma_wait3A_30 = tpu.memref_squeeze %dma_wait3A_29 : memref<1x1x10000xf32, #tpu.memory_space<hbm>> -> memref<1x10000xf32, #tpu.memory_space<hbm>>
      tpu.wait_dma2 semaphore(%run_scoped3A : memref<!tpu.dma_semaphore, #tpu.memory_space<semaphore_mem>>) src(%arg5 : memref<1x10000xf32, #tpu.memory_space<vmem>>) dst(%dma_wait3A_30 : memref<1x10000xf32, #tpu.memory_space<hbm>>)
      tpu.yield
    }) : () -> ()
    return
  }
}

#map = affine_map<(d0, d1) -> (0)>
#map1 = affine_map<(d0, d1) -> (0, 0)>
#map2 = affine_map<(d0, d1) -> (0, 0, 0)>
module attributes {stable_mosaic.version = 14 : i64} {
  func.func @k(%arg0: i32, %arg1: i32, %arg2: memref<320000xi32, #tpu.memory_space<hbm>>, %arg3: memref<320000xi32, #tpu.memory_space<hbm>>, %arg4: memref<10000x128xf32, #tpu.memory_space<hbm>>, %arg5: memref<10000x128xf32, #tpu.memory_space<hbm>>, %arg6: memref<2x10000x128xf32, #tpu.memory_space<hbm>>, %arg7: memref<4x80xi32, #tpu.memory_space<vmem>>, %arg8: memref<4x80xi32, #tpu.memory_space<vmem>>, %arg9: memref<4x80x128xf32, #tpu.memory_space<vmem>>, %arg10: memref<10000x128xf32, #tpu.memory_space<vmem_shared>>, %arg11: memref<!tpu.dma_semaphore, #tpu.memory_space<semaphore_mem>>, %arg12: memref<!tpu.dma_semaphore, #tpu.memory_space<semaphore_mem>>, %arg13: memref<!tpu.dma_semaphore, #tpu.memory_space<semaphore_mem>>, %arg14: memref<!tpu.dma_semaphore, #tpu.memory_space<semaphore_mem>>, %arg15: memref<!tpu.dma_semaphore, #tpu.memory_space<semaphore_mem>>, %arg16: memref<!tpu.dma_semaphore, #tpu.memory_space<semaphore_mem>>, %arg17: memref<!tpu.dma_semaphore, #tpu.memory_space<semaphore_mem>>, %arg18: memref<!tpu.dma_semaphore, #tpu.memory_space<semaphore_mem>>, %arg19: memref<!tpu.dma_semaphore, #tpu.memory_space<semaphore_mem>>, %arg20: memref<!tpu.dma_semaphore, #tpu.memory_space<semaphore_mem>>, %arg21: memref<!tpu.dma_semaphore, #tpu.memory_space<semaphore_mem>>, %arg22: memref<!tpu.dma_semaphore, #tpu.memory_space<semaphore_mem>>) attributes {dimension_semantics = [#tpu.dimension_semantics<core_parallel>, #tpu.dimension_semantics<subcore_parallel>], iteration_bounds = array<i64: 2, 16>, scalar_prefetch = 0 : i64, scratch_operands = 16 : i64, tpu.core_type = #tpu.core_type<sc_vector_subcore>, window_params = [{transform_indices = #map}, {transform_indices = #map}, {transform_indices = #map1}, {transform_indices = #map1}, {transform_indices = #map2}]} {
    %mul3A = arith.constant 16 : i32
    %mul3A_0 = arith.muli %arg0, %mul3A : i32
    %add3A = arith.addi %mul3A_0, %arg1 : i32
    %mul3A_1 = arith.constant 624 : i32
    %mul3A_2 = arith.muli %arg1, %mul3A_1 : i32
    %multiple_of3A = tpu.assume_multiple %mul3A_2, 8 : i32
    "tpu.region"() ({
      %run_scoped3A = tpu.sem_alloc : memref<!tpu.dma_semaphore, #tpu.memory_space<semaphore_mem>>
      %dma_start3A_176 = arith.constant 0 : i32
      %dma_start3A_177 = tpu.memref_slice %arg10[%multiple_of3A, %dma_start3A_176] : memref<10000x128xf32, #tpu.memory_space<vmem_shared>> -> memref<624x128xf32, #tpu.memory_space<vmem_shared>>
      %dma_start3A_178 = arith.constant 0 : i32
      %dma_start3A_179 = tpu.memref_slice %arg5[%multiple_of3A, %dma_start3A_178] : memref<10000x128xf32, #tpu.memory_space<hbm>> -> memref<624x128xf32, #tpu.memory_space<hbm>>
      tpu.enqueue_dma source(%dma_start3A_179 : memref<624x128xf32, #tpu.memory_space<hbm>>) target(%dma_start3A_177 : memref<624x128xf32, #tpu.memory_space<vmem_shared>>) target_semaphore(%run_scoped3A : memref<!tpu.dma_semaphore, #tpu.memory_space<semaphore_mem>>)
      %dma_wait3A_180 = arith.constant 0 : i32
      %dma_wait3A_181 = tpu.memref_slice %arg10[%multiple_of3A, %dma_wait3A_180] : memref<10000x128xf32, #tpu.memory_space<vmem_shared>> -> memref<624x128xf32, #tpu.memory_space<vmem_shared>>
      %dma_wait3A_182 = arith.constant 0 : i32
      %dma_wait3A_183 = tpu.memref_slice %arg5[%multiple_of3A, %dma_wait3A_182] : memref<10000x128xf32, #tpu.memory_space<hbm>> -> memref<624x128xf32, #tpu.memory_space<hbm>>
      tpu.wait_dma2 semaphore(%run_scoped3A : memref<!tpu.dma_semaphore, #tpu.memory_space<semaphore_mem>>) src(%dma_wait3A_183 : memref<624x128xf32, #tpu.memory_space<hbm>>) dst(%dma_wait3A_181 : memref<624x128xf32, #tpu.memory_space<vmem_shared>>)
      tpu.yield
    }) : () -> ()
    %eq3A = arith.constant 15 : i32
    %eq3A_3 = arith.cmpi eq, %arg1, %eq3A : i32
    %convert_element_type3A = arith.extui %eq3A_3 : i1 to i32
    %cond3A = arith.constant 0 : i32
    %cond3A_4 = arith.cmpi ne, %convert_element_type3A, %cond3A : i32
    scf.if %cond3A_4 {
      "tpu.region"() ({
        %run_scoped3A = tpu.sem_alloc : memref<!tpu.dma_semaphore, #tpu.memory_space<semaphore_mem>>
        %dma_start3A_176 = arith.constant 9984 : i32
        %dma_start3A_177 = arith.constant 0 : i32
        %dma_start3A_178 = tpu.memref_slice %arg10[%dma_start3A_176, %dma_start3A_177] : memref<10000x128xf32, #tpu.memory_space<vmem_shared>> -> memref<16x128xf32, #tpu.memory_space<vmem_shared>>
        %dma_start3A_179 = arith.constant 9984 : i32
        %dma_start3A_180 = arith.constant 0 : i32
        %dma_start3A_181 = tpu.memref_slice %arg5[%dma_start3A_179, %dma_start3A_180] : memref<10000x128xf32, #tpu.memory_space<hbm>> -> memref<16x128xf32, #tpu.memory_space<hbm>>
        tpu.enqueue_dma source(%dma_start3A_181 : memref<16x128xf32, #tpu.memory_space<hbm>>) target(%dma_start3A_178 : memref<16x128xf32, #tpu.memory_space<vmem_shared>>) target_semaphore(%run_scoped3A : memref<!tpu.dma_semaphore, #tpu.memory_space<semaphore_mem>>)
        %dma_wait3A_182 = arith.constant 9984 : i32
        %dma_wait3A_183 = arith.constant 0 : i32
        %dma_wait3A_184 = tpu.memref_slice %arg10[%dma_wait3A_182, %dma_wait3A_183] : memref<10000x128xf32, #tpu.memory_space<vmem_shared>> -> memref<16x128xf32, #tpu.memory_space<vmem_shared>>
        %dma_wait3A_185 = arith.constant 9984 : i32
        %dma_wait3A_186 = arith.constant 0 : i32
        %dma_wait3A_187 = tpu.memref_slice %arg5[%dma_wait3A_185, %dma_wait3A_186] : memref<10000x128xf32, #tpu.memory_space<hbm>> -> memref<16x128xf32, #tpu.memory_space<hbm>>
        tpu.wait_dma2 semaphore(%run_scoped3A : memref<!tpu.dma_semaphore, #tpu.memory_space<semaphore_mem>>) src(%dma_wait3A_187 : memref<16x128xf32, #tpu.memory_space<hbm>>) dst(%dma_wait3A_184 : memref<16x128xf32, #tpu.memory_space<vmem_shared>>)
        tpu.yield
      }) : () -> ()
    } else {
    }
    %barrier3A = arith.constant 0 : index
    tpu.barrier barrier_id(%barrier3A)
    %mul3A_5 = arith.constant 10000 : i32
    %mul3A_6 = arith.muli %add3A, %mul3A_5 : i32
    %multiple_of3A_7 = tpu.assume_multiple %mul3A_6, 8 : i32
    %multiple_of3A_8 = arith.constant 0 : i32
    %multiple_of3A_9 = tpu.assume_multiple %multiple_of3A_8, 8 : i32
    %add3A_10 = arith.addi %multiple_of3A_7, %multiple_of3A_9 : i32
    %dma_start3A = arith.constant 0 : i32
    %dma_start3A_11 = arith.constant 0 : i32
    %dma_start3A_12 = tpu.memref_slice %arg7[%dma_start3A, %dma_start3A_11] : memref<4x80xi32, #tpu.memory_space<vmem>> -> memref<1x80xi32, #tpu.memory_space<vmem>>
    %dma_start3A_13 = tpu.memref_squeeze %dma_start3A_12 : memref<1x80xi32, #tpu.memory_space<vmem>> -> memref<80xi32, #tpu.memory_space<vmem>>
    %dma_start3A_14 = tpu.memref_slice %arg2[%add3A_10] : memref<320000xi32, #tpu.memory_space<hbm>> -> memref<80xi32, #tpu.memory_space<hbm>>
    %dma_start3A_15 = arith.constant 0 : i32
    %dma_start3A_16 = tpu.memref_slice %arg7[%dma_start3A, %dma_start3A_15] : memref<4x80xi32, #tpu.memory_space<vmem>> -> memref<1x80xi32, #tpu.memory_space<vmem>>
    %dma_start3A_17 = tpu.memref_squeeze %dma_start3A_16 : memref<1x80xi32, #tpu.memory_space<vmem>> -> memref<80xi32, #tpu.memory_space<vmem>>
    %dma_start3A_18 = tpu.memref_slice %arg2[%add3A_10] : memref<320000xi32, #tpu.memory_space<hbm>> -> memref<80xi32, #tpu.memory_space<hbm>>
    tpu.enqueue_dma source(%dma_start3A_18 : memref<80xi32, #tpu.memory_space<hbm>>) target(%dma_start3A_17 : memref<80xi32, #tpu.memory_space<vmem>>) target_semaphore(%arg11 : memref<!tpu.dma_semaphore, #tpu.memory_space<semaphore_mem>>)
    %mul3A_19 = arith.constant 10000 : i32
    %mul3A_20 = arith.muli %add3A, %mul3A_19 : i32
    %multiple_of3A_21 = tpu.assume_multiple %mul3A_20, 8 : i32
    %multiple_of3A_22 = arith.constant 0 : i32
    %multiple_of3A_23 = tpu.assume_multiple %multiple_of3A_22, 8 : i32
    %add3A_24 = arith.addi %multiple_of3A_21, %multiple_of3A_23 : i32
    %dma_start3A_25 = arith.constant 0 : i32
    %dma_start3A_26 = arith.constant 0 : i32
    %dma_start3A_27 = tpu.memref_slice %arg8[%dma_start3A_25, %dma_start3A_26] : memref<4x80xi32, #tpu.memory_space<vmem>> -> memref<1x80xi32, #tpu.memory_space<vmem>>
    %dma_start3A_28 = tpu.memref_squeeze %dma_start3A_27 : memref<1x80xi32, #tpu.memory_space<vmem>> -> memref<80xi32, #tpu.memory_space<vmem>>
    %dma_start3A_29 = tpu.memref_slice %arg3[%add3A_24] : memref<320000xi32, #tpu.memory_space<hbm>> -> memref<80xi32, #tpu.memory_space<hbm>>
    %dma_start3A_30 = arith.constant 0 : i32
    %dma_start3A_31 = tpu.memref_slice %arg8[%dma_start3A_25, %dma_start3A_30] : memref<4x80xi32, #tpu.memory_space<vmem>> -> memref<1x80xi32, #tpu.memory_space<vmem>>
    %dma_start3A_32 = tpu.memref_squeeze %dma_start3A_31 : memref<1x80xi32, #tpu.memory_space<vmem>> -> memref<80xi32, #tpu.memory_space<vmem>>
    %dma_start3A_33 = tpu.memref_slice %arg3[%add3A_24] : memref<320000xi32, #tpu.memory_space<hbm>> -> memref<80xi32, #tpu.memory_space<hbm>>
    tpu.enqueue_dma source(%dma_start3A_33 : memref<80xi32, #tpu.memory_space<hbm>>) target(%dma_start3A_32 : memref<80xi32, #tpu.memory_space<vmem>>) target_semaphore(%arg11 : memref<!tpu.dma_semaphore, #tpu.memory_space<semaphore_mem>>)
    %mul3A_34 = arith.constant 10000 : i32
    %mul3A_35 = arith.muli %add3A, %mul3A_34 : i32
    %multiple_of3A_36 = tpu.assume_multiple %mul3A_35, 8 : i32
    %multiple_of3A_37 = arith.constant 80 : i32
    %multiple_of3A_38 = tpu.assume_multiple %multiple_of3A_37, 8 : i32
    %add3A_39 = arith.addi %multiple_of3A_36, %multiple_of3A_38 : i32
    %dma_start3A_40 = arith.constant 1 : i32
    %dma_start3A_41 = arith.constant 0 : i32
    %dma_start3A_42 = tpu.memref_slice %arg7[%dma_start3A_40, %dma_start3A_41] : memref<4x80xi32, #tpu.memory_space<vmem>> -> memref<1x80xi32, #tpu.memory_space<vmem>>
    %dma_start3A_43 = tpu.memref_squeeze %dma_start3A_42 : memref<1x80xi32, #tpu.memory_space<vmem>> -> memref<80xi32, #tpu.memory_space<vmem>>
    %dma_start3A_44 = tpu.memref_slice %arg2[%add3A_39] : memref<320000xi32, #tpu.memory_space<hbm>> -> memref<80xi32, #tpu.memory_space<hbm>>
    %dma_start3A_45 = arith.constant 0 : i32
    %dma_start3A_46 = tpu.memref_slice %arg7[%dma_start3A_40, %dma_start3A_45] : memref<4x80xi32, #tpu.memory_space<vmem>> -> memref<1x80xi32, #tpu.memory_space<vmem>>
    %dma_start3A_47 = tpu.memref_squeeze %dma_start3A_46 : memref<1x80xi32, #tpu.memory_space<vmem>> -> memref<80xi32, #tpu.memory_space<vmem>>
    %dma_start3A_48 = tpu.memref_slice %arg2[%add3A_39] : memref<320000xi32, #tpu.memory_space<hbm>> -> memref<80xi32, #tpu.memory_space<hbm>>
    tpu.enqueue_dma source(%dma_start3A_48 : memref<80xi32, #tpu.memory_space<hbm>>) target(%dma_start3A_47 : memref<80xi32, #tpu.memory_space<vmem>>) target_semaphore(%arg12 : memref<!tpu.dma_semaphore, #tpu.memory_space<semaphore_mem>>)
    %mul3A_49 = arith.constant 10000 : i32
    %mul3A_50 = arith.muli %add3A, %mul3A_49 : i32
    %multiple_of3A_51 = tpu.assume_multiple %mul3A_50, 8 : i32
    %multiple_of3A_52 = arith.constant 80 : i32
    %multiple_of3A_53 = tpu.assume_multiple %multiple_of3A_52, 8 : i32
    %add3A_54 = arith.addi %multiple_of3A_51, %multiple_of3A_53 : i32
    %dma_start3A_55 = arith.constant 1 : i32
    %dma_start3A_56 = arith.constant 0 : i32
    %dma_start3A_57 = tpu.memref_slice %arg8[%dma_start3A_55, %dma_start3A_56] : memref<4x80xi32, #tpu.memory_space<vmem>> -> memref<1x80xi32, #tpu.memory_space<vmem>>
    %dma_start3A_58 = tpu.memref_squeeze %dma_start3A_57 : memref<1x80xi32, #tpu.memory_space<vmem>> -> memref<80xi32, #tpu.memory_space<vmem>>
    %dma_start3A_59 = tpu.memref_slice %arg3[%add3A_54] : memref<320000xi32, #tpu.memory_space<hbm>> -> memref<80xi32, #tpu.memory_space<hbm>>
    %dma_start3A_60 = arith.constant 0 : i32
    %dma_start3A_61 = tpu.memref_slice %arg8[%dma_start3A_55, %dma_start3A_60] : memref<4x80xi32, #tpu.memory_space<vmem>> -> memref<1x80xi32, #tpu.memory_space<vmem>>
    %dma_start3A_62 = tpu.memref_squeeze %dma_start3A_61 : memref<1x80xi32, #tpu.memory_space<vmem>> -> memref<80xi32, #tpu.memory_space<vmem>>
    %dma_start3A_63 = tpu.memref_slice %arg3[%add3A_54] : memref<320000xi32, #tpu.memory_space<hbm>> -> memref<80xi32, #tpu.memory_space<hbm>>
    tpu.enqueue_dma source(%dma_start3A_63 : memref<80xi32, #tpu.memory_space<hbm>>) target(%dma_start3A_62 : memref<80xi32, #tpu.memory_space<vmem>>) target_semaphore(%arg12 : memref<!tpu.dma_semaphore, #tpu.memory_space<semaphore_mem>>)
    %mul3A_64 = arith.constant 10000 : i32
    %mul3A_65 = arith.muli %add3A, %mul3A_64 : i32
    %multiple_of3A_66 = tpu.assume_multiple %mul3A_65, 8 : i32
    %multiple_of3A_67 = arith.constant 0 : i32
    %multiple_of3A_68 = tpu.assume_multiple %multiple_of3A_67, 8 : i32
    %add3A_69 = arith.addi %multiple_of3A_66, %multiple_of3A_68 : i32
    %dma_wait3A = arith.constant 0 : i32
    %dma_wait3A_70 = arith.constant 0 : i32
    %dma_wait3A_71 = tpu.memref_slice %arg7[%dma_wait3A, %dma_wait3A_70] : memref<4x80xi32, #tpu.memory_space<vmem>> -> memref<1x80xi32, #tpu.memory_space<vmem>>
    %dma_wait3A_72 = tpu.memref_squeeze %dma_wait3A_71 : memref<1x80xi32, #tpu.memory_space<vmem>> -> memref<80xi32, #tpu.memory_space<vmem>>
    %dma_wait3A_73 = tpu.memref_slice %arg2[%add3A_69] : memref<320000xi32, #tpu.memory_space<hbm>> -> memref<80xi32, #tpu.memory_space<hbm>>
    %dma_wait3A_74 = arith.constant 0 : i32
    %dma_wait3A_75 = tpu.memref_slice %arg7[%dma_wait3A, %dma_wait3A_74] : memref<4x80xi32, #tpu.memory_space<vmem>> -> memref<1x80xi32, #tpu.memory_space<vmem>>
    %dma_wait3A_76 = tpu.memref_squeeze %dma_wait3A_75 : memref<1x80xi32, #tpu.memory_space<vmem>> -> memref<80xi32, #tpu.memory_space<vmem>>
    %dma_wait3A_77 = tpu.memref_slice %arg2[%add3A_69] : memref<320000xi32, #tpu.memory_space<hbm>> -> memref<80xi32, #tpu.memory_space<hbm>>
    tpu.wait_dma2 semaphore(%arg11 : memref<!tpu.dma_semaphore, #tpu.memory_space<semaphore_mem>>) src(%dma_wait3A_77 : memref<80xi32, #tpu.memory_space<hbm>>) dst(%dma_wait3A_76 : memref<80xi32, #tpu.memory_space<vmem>>)
    %mul3A_78 = arith.constant 10000 : i32
    %mul3A_79 = arith.muli %add3A, %mul3A_78 : i32
    %multiple_of3A_80 = tpu.assume_multiple %mul3A_79, 8 : i32
    %multiple_of3A_81 = arith.constant 0 : i32
    %multiple_of3A_82 = tpu.assume_multiple %multiple_of3A_81, 8 : i32
    %add3A_83 = arith.addi %multiple_of3A_80, %multiple_of3A_82 : i32
    %dma_wait3A_84 = arith.constant 0 : i32
    %dma_wait3A_85 = arith.constant 0 : i32
    %dma_wait3A_86 = tpu.memref_slice %arg8[%dma_wait3A_84, %dma_wait3A_85] : memref<4x80xi32, #tpu.memory_space<vmem>> -> memref<1x80xi32, #tpu.memory_space<vmem>>
    %dma_wait3A_87 = tpu.memref_squeeze %dma_wait3A_86 : memref<1x80xi32, #tpu.memory_space<vmem>> -> memref<80xi32, #tpu.memory_space<vmem>>
    %dma_wait3A_88 = tpu.memref_slice %arg3[%add3A_83] : memref<320000xi32, #tpu.memory_space<hbm>> -> memref<80xi32, #tpu.memory_space<hbm>>
    %dma_wait3A_89 = arith.constant 0 : i32
    %dma_wait3A_90 = tpu.memref_slice %arg8[%dma_wait3A_84, %dma_wait3A_89] : memref<4x80xi32, #tpu.memory_space<vmem>> -> memref<1x80xi32, #tpu.memory_space<vmem>>
    %dma_wait3A_91 = tpu.memref_squeeze %dma_wait3A_90 : memref<1x80xi32, #tpu.memory_space<vmem>> -> memref<80xi32, #tpu.memory_space<vmem>>
    %dma_wait3A_92 = tpu.memref_slice %arg3[%add3A_83] : memref<320000xi32, #tpu.memory_space<hbm>> -> memref<80xi32, #tpu.memory_space<hbm>>
    tpu.wait_dma2 semaphore(%arg11 : memref<!tpu.dma_semaphore, #tpu.memory_space<semaphore_mem>>) src(%dma_wait3A_92 : memref<80xi32, #tpu.memory_space<hbm>>) dst(%dma_wait3A_91 : memref<80xi32, #tpu.memory_space<vmem>>)
    %dma_start3A_93 = arith.constant 0 : i32
    %dma_start3A_94 = arith.constant 0 : i32
    %dma_start3A_95 = arith.constant 0 : i32
    %dma_start3A_96 = arith.constant 0 : i32
    %dma_start3A_97 = tpu.memref_slice %arg9[%dma_start3A_94, %dma_start3A_95, %dma_start3A_96] : memref<4x80x128xf32, #tpu.memory_space<vmem>> -> memref<1x80x128xf32, #tpu.memory_space<vmem>>
    %dma_start3A_98 = tpu.memref_squeeze %dma_start3A_97 : memref<1x80x128xf32, #tpu.memory_space<vmem>> -> memref<80x128xf32, #tpu.memory_space<vmem>>
    %dma_start3A_99 = arith.constant 0 : i32
    %dma_start3A_100 = tpu.memref_slice %arg7[%dma_start3A_93, %dma_start3A_99] : memref<4x80xi32, #tpu.memory_space<vmem>> -> memref<1x80xi32, #tpu.memory_space<vmem>>
    %dma_start3A_101 = tpu.memref_squeeze %dma_start3A_100 : memref<1x80xi32, #tpu.memory_space<vmem>> -> memref<80xi32, #tpu.memory_space<vmem>>
    %dma_start3A_102 = arith.constant 0 : i32
    %dma_start3A_103 = arith.constant 0 : i32
    %dma_start3A_104 = tpu.memref_slice %arg4[%dma_start3A_102, %dma_start3A_103] : memref<10000x128xf32, #tpu.memory_space<hbm>> -> memref<10000x128xf32, #tpu.memory_space<hbm>>
    tpu.enqueue_indirect_dma source(%dma_start3A_104 : memref<10000x128xf32, #tpu.memory_space<hbm>>) target(%dma_start3A_98 : memref<80x128xf32, #tpu.memory_space<vmem>>) offsets(%dma_start3A_101 : memref<80xi32, #tpu.memory_space<vmem>>) semaphore(%arg15 : memref<!tpu.dma_semaphore, #tpu.memory_space<semaphore_mem>>)
    %scan3A = arith.constant 0 : i32
    %scan3A_105 = arith.constant 0 : i32
    %scan3A_106 = arith.constant 31 : i32
    %scan3A_107 = arith.addi %scan3A_105, %scan3A_106 : i32
    %scan3A_108 = arith.constant 1 : i32
    scf.for %scan3A_176 = %scan3A_105 to %scan3A_107 step %scan3A_108  : i32 {
      %mul3A_177 = arith.constant 4 : i32
      %mul3A_178 = arith.muli %scan3A_176, %mul3A_177 : i32
      %add3A_179 = arith.constant 0 : i32
      %add3A_180 = arith.addi %mul3A_178, %add3A_179 : i32
      %dma_wait3A_181 = arith.constant 0 : i32
      %dma_wait3A_182 = arith.constant 0 : i32
      %dma_wait3A_183 = arith.constant 0 : i32
      %dma_wait3A_184 = arith.constant 0 : i32
      %dma_wait3A_185 = tpu.memref_slice %arg9[%dma_wait3A_182, %dma_wait3A_183, %dma_wait3A_184] : memref<4x80x128xf32, #tpu.memory_space<vmem>> -> memref<1x80x128xf32, #tpu.memory_space<vmem>>
      %dma_wait3A_186 = tpu.memref_squeeze %dma_wait3A_185 : memref<1x80x128xf32, #tpu.memory_space<vmem>> -> memref<80x128xf32, #tpu.memory_space<vmem>>
      %dma_wait3A_187 = arith.constant 0 : i32
      %dma_wait3A_188 = tpu.memref_slice %arg7[%dma_wait3A_181, %dma_wait3A_187] : memref<4x80xi32, #tpu.memory_space<vmem>> -> memref<1x80xi32, #tpu.memory_space<vmem>>
      %dma_wait3A_189 = tpu.memref_squeeze %dma_wait3A_188 : memref<1x80xi32, #tpu.memory_space<vmem>> -> memref<80xi32, #tpu.memory_space<vmem>>
      %dma_wait3A_190 = arith.constant 0 : i32
      %dma_wait3A_191 = arith.constant 0 : i32
      %dma_wait3A_192 = tpu.memref_slice %arg4[%dma_wait3A_190, %dma_wait3A_191] : memref<10000x128xf32, #tpu.memory_space<hbm>> -> memref<10000x128xf32, #tpu.memory_space<hbm>>
      tpu.wait_indirect_dma semaphore(%arg15 : memref<!tpu.dma_semaphore, #tpu.memory_space<semaphore_mem>>) src(%dma_wait3A_192 : memref<10000x128xf32, #tpu.memory_space<hbm>>) dst(%dma_wait3A_186 : memref<80x128xf32, #tpu.memory_space<vmem>>)
      %dma_start3A_193 = arith.constant 0 : i32
      %dma_start3A_194 = arith.constant 0 : i32
      %dma_start3A_195 = arith.constant 0 : i32
      %dma_start3A_196 = arith.constant 0 : i32
      %dma_start3A_197 = tpu.memref_slice %arg9[%dma_start3A_193, %dma_start3A_195, %dma_start3A_196] : memref<4x80x128xf32, #tpu.memory_space<vmem>> -> memref<1x80x128xf32, #tpu.memory_space<vmem>>
      %dma_start3A_198 = tpu.memref_squeeze %dma_start3A_197 : memref<1x80x128xf32, #tpu.memory_space<vmem>> -> memref<80x128xf32, #tpu.memory_space<vmem>>
      %dma_start3A_199 = arith.constant 0 : i32
      %dma_start3A_200 = tpu.memref_slice %arg8[%dma_start3A_194, %dma_start3A_199] : memref<4x80xi32, #tpu.memory_space<vmem>> -> memref<1x80xi32, #tpu.memory_space<vmem>>
      %dma_start3A_201 = tpu.memref_squeeze %dma_start3A_200 : memref<1x80xi32, #tpu.memory_space<vmem>> -> memref<80xi32, #tpu.memory_space<vmem>>
      %dma_start3A_202 = arith.constant 0 : i32
      %dma_start3A_203 = arith.constant 0 : i32
      %dma_start3A_204 = tpu.memref_slice %arg10[%dma_start3A_202, %dma_start3A_203] : memref<10000x128xf32, #tpu.memory_space<vmem_shared>> -> memref<10000x128xf32, #tpu.memory_space<vmem_shared>>
      tpu.enqueue_indirect_dma source(%dma_start3A_198 : memref<80x128xf32, #tpu.memory_space<vmem>>) target(%dma_start3A_204 : memref<10000x128xf32, #tpu.memory_space<vmem_shared>>) offsets(%dma_start3A_201 : memref<80xi32, #tpu.memory_space<vmem>>) semaphore(%arg19 : memref<!tpu.dma_semaphore, #tpu.memory_space<semaphore_mem>>) {add = true}
      %ge3A = arith.constant 2 : i32
      %ge3A_205 = arith.cmpi sge, %add3A_180, %ge3A : i32
      %convert_element_type3A_206 = arith.extui %ge3A_205 : i1 to i32
      %cond3A_207 = arith.constant 0 : i32
      %cond3A_208 = arith.cmpi ne, %convert_element_type3A_206, %cond3A_207 : i32
      scf.if %cond3A_208 {
        %dma_wait3A_363 = arith.constant 2 : i32
        %dma_wait3A_364 = arith.constant 0 : i32
        %dma_wait3A_365 = arith.constant 0 : i32
        %dma_wait3A_366 = arith.constant 0 : i32
        %dma_wait3A_367 = tpu.memref_slice %arg9[%dma_wait3A_363, %dma_wait3A_365, %dma_wait3A_366] : memref<4x80x128xf32, #tpu.memory_space<vmem>> -> memref<1x80x128xf32, #tpu.memory_space<vmem>>
        %dma_wait3A_368 = tpu.memref_squeeze %dma_wait3A_367 : memref<1x80x128xf32, #tpu.memory_space<vmem>> -> memref<80x128xf32, #tpu.memory_space<vmem>>
        %dma_wait3A_369 = arith.constant 0 : i32
        %dma_wait3A_370 = tpu.memref_slice %arg8[%dma_wait3A_364, %dma_wait3A_369] : memref<4x80xi32, #tpu.memory_space<vmem>> -> memref<1x80xi32, #tpu.memory_space<vmem>>
        %dma_wait3A_371 = tpu.memref_squeeze %dma_wait3A_370 : memref<1x80xi32, #tpu.memory_space<vmem>> -> memref<80xi32, #tpu.memory_space<vmem>>
        %dma_wait3A_372 = arith.constant 0 : i32
        %dma_wait3A_373 = arith.constant 0 : i32
        %dma_wait3A_374 = tpu.memref_slice %arg10[%dma_wait3A_372, %dma_wait3A_373] : memref<10000x128xf32, #tpu.memory_space<vmem_shared>> -> memref<10000x128xf32, #tpu.memory_space<vmem_shared>>
        tpu.wait_indirect_dma semaphore(%arg21 : memref<!tpu.dma_semaphore, #tpu.memory_space<semaphore_mem>>) src(%dma_wait3A_368 : memref<80x128xf32, #tpu.memory_space<vmem>>) dst(%dma_wait3A_374 : memref<10000x128xf32, #tpu.memory_space<vmem_shared>>)
      } else {
      }
      %add3A_209 = arith.constant 2 : i32
      %add3A_210 = arith.addi %add3A_180, %add3A_209 : i32
      %lt3A = arith.constant 125 : i32
      %lt3A_211 = arith.cmpi slt, %add3A_210, %lt3A : i32
      %convert_element_type3A_212 = arith.extui %lt3A_211 : i1 to i32
      %cond3A_213 = arith.constant 0 : i32
      %cond3A_214 = arith.cmpi ne, %convert_element_type3A_212, %cond3A_213 : i32
      scf.if %cond3A_214 {
        %add3A_363 = arith.constant 2 : i32
        %add3A_364 = arith.addi %add3A_180, %add3A_363 : i32
        %mul3A_365 = arith.constant 10000 : i32
        %mul3A_366 = arith.muli %add3A, %mul3A_365 : i32
        %multiple_of3A_367 = tpu.assume_multiple %mul3A_366, 8 : i32
        %mul3A_368 = arith.constant 80 : i32
        %mul3A_369 = arith.muli %add3A_364, %mul3A_368 : i32
        %multiple_of3A_370 = tpu.assume_multiple %mul3A_369, 8 : i32
        %add3A_371 = arith.addi %multiple_of3A_367, %multiple_of3A_370 : i32
        %dma_start3A_372 = arith.constant 2 : i32
        %dma_start3A_373 = arith.constant 0 : i32
        %dma_start3A_374 = tpu.memref_slice %arg7[%dma_start3A_372, %dma_start3A_373] : memref<4x80xi32, #tpu.memory_space<vmem>> -> memref<1x80xi32, #tpu.memory_space<vmem>>
        %dma_start3A_375 = tpu.memref_squeeze %dma_start3A_374 : memref<1x80xi32, #tpu.memory_space<vmem>> -> memref<80xi32, #tpu.memory_space<vmem>>
        %dma_start3A_376 = tpu.memref_slice %arg2[%add3A_371] : memref<320000xi32, #tpu.memory_space<hbm>> -> memref<80xi32, #tpu.memory_space<hbm>>
        %dma_start3A_377 = arith.constant 0 : i32
        %dma_start3A_378 = tpu.memref_slice %arg7[%dma_start3A_372, %dma_start3A_377] : memref<4x80xi32, #tpu.memory_space<vmem>> -> memref<1x80xi32, #tpu.memory_space<vmem>>
        %dma_start3A_379 = tpu.memref_squeeze %dma_start3A_378 : memref<1x80xi32, #tpu.memory_space<vmem>> -> memref<80xi32, #tpu.memory_space<vmem>>
        %dma_start3A_380 = tpu.memref_slice %arg2[%add3A_371] : memref<320000xi32, #tpu.memory_space<hbm>> -> memref<80xi32, #tpu.memory_space<hbm>>
        tpu.enqueue_dma source(%dma_start3A_380 : memref<80xi32, #tpu.memory_space<hbm>>) target(%dma_start3A_379 : memref<80xi32, #tpu.memory_space<vmem>>) target_semaphore(%arg13 : memref<!tpu.dma_semaphore, #tpu.memory_space<semaphore_mem>>)
        %mul3A_381 = arith.constant 10000 : i32
        %mul3A_382 = arith.muli %add3A, %mul3A_381 : i32
        %multiple_of3A_383 = tpu.assume_multiple %mul3A_382, 8 : i32
        %mul3A_384 = arith.constant 80 : i32
        %mul3A_385 = arith.muli %add3A_364, %mul3A_384 : i32
        %multiple_of3A_386 = tpu.assume_multiple %mul3A_385, 8 : i32
        %add3A_387 = arith.addi %multiple_of3A_383, %multiple_of3A_386 : i32
        %dma_start3A_388 = arith.constant 2 : i32
        %dma_start3A_389 = arith.constant 0 : i32
        %dma_start3A_390 = tpu.memref_slice %arg8[%dma_start3A_388, %dma_start3A_389] : memref<4x80xi32, #tpu.memory_space<vmem>> -> memref<1x80xi32, #tpu.memory_space<vmem>>
        %dma_start3A_391 = tpu.memref_squeeze %dma_start3A_390 : memref<1x80xi32, #tpu.memory_space<vmem>> -> memref<80xi32, #tpu.memory_space<vmem>>
        %dma_start3A_392 = tpu.memref_slice %arg3[%add3A_387] : memref<320000xi32, #tpu.memory_space<hbm>> -> memref<80xi32, #tpu.memory_space<hbm>>
        %dma_start3A_393 = arith.constant 0 : i32
        %dma_start3A_394 = tpu.memref_slice %arg8[%dma_start3A_388, %dma_start3A_393] : memref<4x80xi32, #tpu.memory_space<vmem>> -> memref<1x80xi32, #tpu.memory_space<vmem>>
        %dma_start3A_395 = tpu.memref_squeeze %dma_start3A_394 : memref<1x80xi32, #tpu.memory_space<vmem>> -> memref<80xi32, #tpu.memory_space<vmem>>
        %dma_start3A_396 = tpu.memref_slice %arg3[%add3A_387] : memref<320000xi32, #tpu.memory_space<hbm>> -> memref<80xi32, #tpu.memory_space<hbm>>
        tpu.enqueue_dma source(%dma_start3A_396 : memref<80xi32, #tpu.memory_space<hbm>>) target(%dma_start3A_395 : memref<80xi32, #tpu.memory_space<vmem>>) target_semaphore(%arg13 : memref<!tpu.dma_semaphore, #tpu.memory_space<semaphore_mem>>)
      } else {
      }
      %add3A_215 = arith.constant 1 : i32
      %add3A_216 = arith.addi %add3A_180, %add3A_215 : i32
      %lt3A_217 = arith.constant 125 : i32
      %lt3A_218 = arith.cmpi slt, %add3A_216, %lt3A_217 : i32
      %convert_element_type3A_219 = arith.extui %lt3A_218 : i1 to i32
      %cond3A_220 = arith.constant 0 : i32
      %cond3A_221 = arith.cmpi ne, %convert_element_type3A_219, %cond3A_220 : i32
      scf.if %cond3A_221 {
        %add3A_363 = arith.constant 1 : i32
        %add3A_364 = arith.addi %add3A_180, %add3A_363 : i32
        %mul3A_365 = arith.constant 10000 : i32
        %mul3A_366 = arith.muli %add3A, %mul3A_365 : i32
        %multiple_of3A_367 = tpu.assume_multiple %mul3A_366, 8 : i32
        %mul3A_368 = arith.constant 80 : i32
        %mul3A_369 = arith.muli %add3A_364, %mul3A_368 : i32
        %multiple_of3A_370 = tpu.assume_multiple %mul3A_369, 8 : i32
        %add3A_371 = arith.addi %multiple_of3A_367, %multiple_of3A_370 : i32
        %dma_wait3A_372 = arith.constant 1 : i32
        %dma_wait3A_373 = arith.constant 0 : i32
        %dma_wait3A_374 = tpu.memref_slice %arg7[%dma_wait3A_372, %dma_wait3A_373] : memref<4x80xi32, #tpu.memory_space<vmem>> -> memref<1x80xi32, #tpu.memory_space<vmem>>
        %dma_wait3A_375 = tpu.memref_squeeze %dma_wait3A_374 : memref<1x80xi32, #tpu.memory_space<vmem>> -> memref<80xi32, #tpu.memory_space<vmem>>
        %dma_wait3A_376 = tpu.memref_slice %arg2[%add3A_371] : memref<320000xi32, #tpu.memory_space<hbm>> -> memref<80xi32, #tpu.memory_space<hbm>>
        %dma_wait3A_377 = arith.constant 0 : i32
        %dma_wait3A_378 = tpu.memref_slice %arg7[%dma_wait3A_372, %dma_wait3A_377] : memref<4x80xi32, #tpu.memory_space<vmem>> -> memref<1x80xi32, #tpu.memory_space<vmem>>
        %dma_wait3A_379 = tpu.memref_squeeze %dma_wait3A_378 : memref<1x80xi32, #tpu.memory_space<vmem>> -> memref<80xi32, #tpu.memory_space<vmem>>
        %dma_wait3A_380 = tpu.memref_slice %arg2[%add3A_371] : memref<320000xi32, #tpu.memory_space<hbm>> -> memref<80xi32, #tpu.memory_space<hbm>>
        tpu.wait_dma2 semaphore(%arg12 : memref<!tpu.dma_semaphore, #tpu.memory_space<semaphore_mem>>) src(%dma_wait3A_380 : memref<80xi32, #tpu.memory_space<hbm>>) dst(%dma_wait3A_379 : memref<80xi32, #tpu.memory_space<vmem>>)
        %mul3A_381 = arith.constant 10000 : i32
        %mul3A_382 = arith.muli %add3A, %mul3A_381 : i32
        %multiple_of3A_383 = tpu.assume_multiple %mul3A_382, 8 : i32
        %mul3A_384 = arith.constant 80 : i32
        %mul3A_385 = arith.muli %add3A_364, %mul3A_384 : i32
        %multiple_of3A_386 = tpu.assume_multiple %mul3A_385, 8 : i32
        %add3A_387 = arith.addi %multiple_of3A_383, %multiple_of3A_386 : i32
        %dma_wait3A_388 = arith.constant 1 : i32
        %dma_wait3A_389 = arith.constant 0 : i32
        %dma_wait3A_390 = tpu.memref_slice %arg8[%dma_wait3A_388, %dma_wait3A_389] : memref<4x80xi32, #tpu.memory_space<vmem>> -> memref<1x80xi32, #tpu.memory_space<vmem>>
        %dma_wait3A_391 = tpu.memref_squeeze %dma_wait3A_390 : memref<1x80xi32, #tpu.memory_space<vmem>> -> memref<80xi32, #tpu.memory_space<vmem>>
        %dma_wait3A_392 = tpu.memref_slice %arg3[%add3A_387] : memref<320000xi32, #tpu.memory_space<hbm>> -> memref<80xi32, #tpu.memory_space<hbm>>
        %dma_wait3A_393 = arith.constant 0 : i32
        %dma_wait3A_394 = tpu.memref_slice %arg8[%dma_wait3A_388, %dma_wait3A_393] : memref<4x80xi32, #tpu.memory_space<vmem>> -> memref<1x80xi32, #tpu.memory_space<vmem>>
        %dma_wait3A_395 = tpu.memref_squeeze %dma_wait3A_394 : memref<1x80xi32, #tpu.memory_space<vmem>> -> memref<80xi32, #tpu.memory_space<vmem>>
        %dma_wait3A_396 = tpu.memref_slice %arg3[%add3A_387] : memref<320000xi32, #tpu.memory_space<hbm>> -> memref<80xi32, #tpu.memory_space<hbm>>
        tpu.wait_dma2 semaphore(%arg12 : memref<!tpu.dma_semaphore, #tpu.memory_space<semaphore_mem>>) src(%dma_wait3A_396 : memref<80xi32, #tpu.memory_space<hbm>>) dst(%dma_wait3A_395 : memref<80xi32, #tpu.memory_space<vmem>>)
        %add3A_397 = arith.constant 1 : i32
        %add3A_398 = arith.addi %add3A_180, %add3A_397 : i32
        %dma_start3A_399 = arith.constant 1 : i32
        %dma_start3A_400 = arith.constant 1 : i32
        %dma_start3A_401 = arith.constant 0 : i32
        %dma_start3A_402 = arith.constant 0 : i32
        %dma_start3A_403 = tpu.memref_slice %arg9[%dma_start3A_400, %dma_start3A_401, %dma_start3A_402] : memref<4x80x128xf32, #tpu.memory_space<vmem>> -> memref<1x80x128xf32, #tpu.memory_space<vmem>>
        %dma_start3A_404 = tpu.memref_squeeze %dma_start3A_403 : memref<1x80x128xf32, #tpu.memory_space<vmem>> -> memref<80x128xf32, #tpu.memory_space<vmem>>
        %dma_start3A_405 = arith.constant 0 : i32
        %dma_start3A_406 = tpu.memref_slice %arg7[%dma_start3A_399, %dma_start3A_405] : memref<4x80xi32, #tpu.memory_space<vmem>> -> memref<1x80xi32, #tpu.memory_space<vmem>>
        %dma_start3A_407 = tpu.memref_squeeze %dma_start3A_406 : memref<1x80xi32, #tpu.memory_space<vmem>> -> memref<80xi32, #tpu.memory_space<vmem>>
        %dma_start3A_408 = arith.constant 0 : i32
        %dma_start3A_409 = arith.constant 0 : i32
        %dma_start3A_410 = tpu.memref_slice %arg4[%dma_start3A_408, %dma_start3A_409] : memref<10000x128xf32, #tpu.memory_space<hbm>> -> memref<10000x128xf32, #tpu.memory_space<hbm>>
        tpu.enqueue_indirect_dma source(%dma_start3A_410 : memref<10000x128xf32, #tpu.memory_space<hbm>>) target(%dma_start3A_404 : memref<80x128xf32, #tpu.memory_space<vmem>>) offsets(%dma_start3A_407 : memref<80xi32, #tpu.memory_space<vmem>>) semaphore(%arg16 : memref<!tpu.dma_semaphore, #tpu.memory_space<semaphore_mem>>)
      } else {
      }
      %mul3A_222 = arith.constant 4 : i32
      %mul3A_223 = arith.muli %scan3A_176, %mul3A_222 : i32
      %add3A_224 = arith.constant 1 : i32
      %add3A_225 = arith.addi %mul3A_223, %add3A_224 : i32
      %dma_wait3A_226 = arith.constant 1 : i32
      %dma_wait3A_227 = arith.constant 1 : i32
      %dma_wait3A_228 = arith.constant 0 : i32
      %dma_wait3A_229 = arith.constant 0 : i32
      %dma_wait3A_230 = tpu.memref_slice %arg9[%dma_wait3A_227, %dma_wait3A_228, %dma_wait3A_229] : memref<4x80x128xf32, #tpu.memory_space<vmem>> -> memref<1x80x128xf32, #tpu.memory_space<vmem>>
      %dma_wait3A_231 = tpu.memref_squeeze %dma_wait3A_230 : memref<1x80x128xf32, #tpu.memory_space<vmem>> -> memref<80x128xf32, #tpu.memory_space<vmem>>
      %dma_wait3A_232 = arith.constant 0 : i32
      %dma_wait3A_233 = tpu.memref_slice %arg7[%dma_wait3A_226, %dma_wait3A_232] : memref<4x80xi32, #tpu.memory_space<vmem>> -> memref<1x80xi32, #tpu.memory_space<vmem>>
      %dma_wait3A_234 = tpu.memref_squeeze %dma_wait3A_233 : memref<1x80xi32, #tpu.memory_space<vmem>> -> memref<80xi32, #tpu.memory_space<vmem>>
      %dma_wait3A_235 = arith.constant 0 : i32
      %dma_wait3A_236 = arith.constant 0 : i32
      %dma_wait3A_237 = tpu.memref_slice %arg4[%dma_wait3A_235, %dma_wait3A_236] : memref<10000x128xf32, #tpu.memory_space<hbm>> -> memref<10000x128xf32, #tpu.memory_space<hbm>>
      tpu.wait_indirect_dma semaphore(%arg16 : memref<!tpu.dma_semaphore, #tpu.memory_space<semaphore_mem>>) src(%dma_wait3A_237 : memref<10000x128xf32, #tpu.memory_space<hbm>>) dst(%dma_wait3A_231 : memref<80x128xf32, #tpu.memory_space<vmem>>)
      %dma_start3A_238 = arith.constant 1 : i32
      %dma_start3A_239 = arith.constant 1 : i32
      %dma_start3A_240 = arith.constant 0 : i32
      %dma_start3A_241 = arith.constant 0 : i32
      %dma_start3A_242 = tpu.memref_slice %arg9[%dma_start3A_238, %dma_start3A_240, %dma_start3A_241] : memref<4x80x128xf32, #tpu.memory_space<vmem>> -> memref<1x80x128xf32, #tpu.memory_space<vmem>>
      %dma_start3A_243 = tpu.memref_squeeze %dma_start3A_242 : memref<1x80x128xf32, #tpu.memory_space<vmem>> -> memref<80x128xf32, #tpu.memory_space<vmem>>
      %dma_start3A_244 = arith.constant 0 : i32
      %dma_start3A_245 = tpu.memref_slice %arg8[%dma_start3A_239, %dma_start3A_244] : memref<4x80xi32, #tpu.memory_space<vmem>> -> memref<1x80xi32, #tpu.memory_space<vmem>>
      %dma_start3A_246 = tpu.memref_squeeze %dma_start3A_245 : memref<1x80xi32, #tpu.memory_space<vmem>> -> memref<80xi32, #tpu.memory_space<vmem>>
      %dma_start3A_247 = arith.constant 0 : i32
      %dma_start3A_248 = arith.constant 0 : i32
      %dma_start3A_249 = tpu.memref_slice %arg10[%dma_start3A_247, %dma_start3A_248] : memref<10000x128xf32, #tpu.memory_space<vmem_shared>> -> memref<10000x128xf32, #tpu.memory_space<vmem_shared>>
      tpu.enqueue_indirect_dma source(%dma_start3A_243 : memref<80x128xf32, #tpu.memory_space<vmem>>) target(%dma_start3A_249 : memref<10000x128xf32, #tpu.memory_space<vmem_shared>>) offsets(%dma_start3A_246 : memref<80xi32, #tpu.memory_space<vmem>>) semaphore(%arg20 : memref<!tpu.dma_semaphore, #tpu.memory_space<semaphore_mem>>) {add = true}
      %ge3A_250 = arith.constant 2 : i32
      %ge3A_251 = arith.cmpi sge, %add3A_225, %ge3A_250 : i32
      %convert_element_type3A_252 = arith.extui %ge3A_251 : i1 to i32
      %cond3A_253 = arith.constant 0 : i32
      %cond3A_254 = arith.cmpi ne, %convert_element_type3A_252, %cond3A_253 : i32
      scf.if %cond3A_254 {
        %dma_wait3A_363 = arith.constant 3 : i32
        %dma_wait3A_364 = arith.constant 0 : i32
        %dma_wait3A_365 = arith.constant 0 : i32
        %dma_wait3A_366 = arith.constant 0 : i32
        %dma_wait3A_367 = tpu.memref_slice %arg9[%dma_wait3A_363, %dma_wait3A_365, %dma_wait3A_366] : memref<4x80x128xf32, #tpu.memory_space<vmem>> -> memref<1x80x128xf32, #tpu.memory_space<vmem>>
        %dma_wait3A_368 = tpu.memref_squeeze %dma_wait3A_367 : memref<1x80x128xf32, #tpu.memory_space<vmem>> -> memref<80x128xf32, #tpu.memory_space<vmem>>
        %dma_wait3A_369 = arith.constant 0 : i32
        %dma_wait3A_370 = tpu.memref_slice %arg8[%dma_wait3A_364, %dma_wait3A_369] : memref<4x80xi32, #tpu.memory_space<vmem>> -> memref<1x80xi32, #tpu.memory_space<vmem>>
        %dma_wait3A_371 = tpu.memref_squeeze %dma_wait3A_370 : memref<1x80xi32, #tpu.memory_space<vmem>> -> memref<80xi32, #tpu.memory_space<vmem>>
        %dma_wait3A_372 = arith.constant 0 : i32
        %dma_wait3A_373 = arith.constant 0 : i32
        %dma_wait3A_374 = tpu.memref_slice %arg10[%dma_wait3A_372, %dma_wait3A_373] : memref<10000x128xf32, #tpu.memory_space<vmem_shared>> -> memref<10000x128xf32, #tpu.memory_space<vmem_shared>>
        tpu.wait_indirect_dma semaphore(%arg22 : memref<!tpu.dma_semaphore, #tpu.memory_space<semaphore_mem>>) src(%dma_wait3A_368 : memref<80x128xf32, #tpu.memory_space<vmem>>) dst(%dma_wait3A_374 : memref<10000x128xf32, #tpu.memory_space<vmem_shared>>)
      } else {
      }
      %add3A_255 = arith.constant 2 : i32
      %add3A_256 = arith.addi %add3A_225, %add3A_255 : i32
      %lt3A_257 = arith.constant 125 : i32
      %lt3A_258 = arith.cmpi slt, %add3A_256, %lt3A_257 : i32
      %convert_element_type3A_259 = arith.extui %lt3A_258 : i1 to i32
      %cond3A_260 = arith.constant 0 : i32
      %cond3A_261 = arith.cmpi ne, %convert_element_type3A_259, %cond3A_260 : i32
      scf.if %cond3A_261 {
        %add3A_363 = arith.constant 2 : i32
        %add3A_364 = arith.addi %add3A_225, %add3A_363 : i32
        %mul3A_365 = arith.constant 10000 : i32
        %mul3A_366 = arith.muli %add3A, %mul3A_365 : i32
        %multiple_of3A_367 = tpu.assume_multiple %mul3A_366, 8 : i32
        %mul3A_368 = arith.constant 80 : i32
        %mul3A_369 = arith.muli %add3A_364, %mul3A_368 : i32
        %multiple_of3A_370 = tpu.assume_multiple %mul3A_369, 8 : i32
        %add3A_371 = arith.addi %multiple_of3A_367, %multiple_of3A_370 : i32
        %dma_start3A_372 = arith.constant 3 : i32
        %dma_start3A_373 = arith.constant 0 : i32
        %dma_start3A_374 = tpu.memref_slice %arg7[%dma_start3A_372, %dma_start3A_373] : memref<4x80xi32, #tpu.memory_space<vmem>> -> memref<1x80xi32, #tpu.memory_space<vmem>>
        %dma_start3A_375 = tpu.memref_squeeze %dma_start3A_374 : memref<1x80xi32, #tpu.memory_space<vmem>> -> memref<80xi32, #tpu.memory_space<vmem>>
        %dma_start3A_376 = tpu.memref_slice %arg2[%add3A_371] : memref<320000xi32, #tpu.memory_space<hbm>> -> memref<80xi32, #tpu.memory_space<hbm>>
        %dma_start3A_377 = arith.constant 0 : i32
        %dma_start3A_378 = tpu.memref_slice %arg7[%dma_start3A_372, %dma_start3A_377] : memref<4x80xi32, #tpu.memory_space<vmem>> -> memref<1x80xi32, #tpu.memory_space<vmem>>
        %dma_start3A_379 = tpu.memref_squeeze %dma_start3A_378 : memref<1x80xi32, #tpu.memory_space<vmem>> -> memref<80xi32, #tpu.memory_space<vmem>>
        %dma_start3A_380 = tpu.memref_slice %arg2[%add3A_371] : memref<320000xi32, #tpu.memory_space<hbm>> -> memref<80xi32, #tpu.memory_space<hbm>>
        tpu.enqueue_dma source(%dma_start3A_380 : memref<80xi32, #tpu.memory_space<hbm>>) target(%dma_start3A_379 : memref<80xi32, #tpu.memory_space<vmem>>) target_semaphore(%arg14 : memref<!tpu.dma_semaphore, #tpu.memory_space<semaphore_mem>>)
        %mul3A_381 = arith.constant 10000 : i32
        %mul3A_382 = arith.muli %add3A, %mul3A_381 : i32
        %multiple_of3A_383 = tpu.assume_multiple %mul3A_382, 8 : i32
        %mul3A_384 = arith.constant 80 : i32
        %mul3A_385 = arith.muli %add3A_364, %mul3A_384 : i32
        %multiple_of3A_386 = tpu.assume_multiple %mul3A_385, 8 : i32
        %add3A_387 = arith.addi %multiple_of3A_383, %multiple_of3A_386 : i32
        %dma_start3A_388 = arith.constant 3 : i32
        %dma_start3A_389 = arith.constant 0 : i32
        %dma_start3A_390 = tpu.memref_slice %arg8[%dma_start3A_388, %dma_start3A_389] : memref<4x80xi32, #tpu.memory_space<vmem>> -> memref<1x80xi32, #tpu.memory_space<vmem>>
        %dma_start3A_391 = tpu.memref_squeeze %dma_start3A_390 : memref<1x80xi32, #tpu.memory_space<vmem>> -> memref<80xi32, #tpu.memory_space<vmem>>
        %dma_start3A_392 = tpu.memref_slice %arg3[%add3A_387] : memref<320000xi32, #tpu.memory_space<hbm>> -> memref<80xi32, #tpu.memory_space<hbm>>
        %dma_start3A_393 = arith.constant 0 : i32
        %dma_start3A_394 = tpu.memref_slice %arg8[%dma_start3A_388, %dma_start3A_393] : memref<4x80xi32, #tpu.memory_space<vmem>> -> memref<1x80xi32, #tpu.memory_space<vmem>>
        %dma_start3A_395 = tpu.memref_squeeze %dma_start3A_394 : memref<1x80xi32, #tpu.memory_space<vmem>> -> memref<80xi32, #tpu.memory_space<vmem>>
        %dma_start3A_396 = tpu.memref_slice %arg3[%add3A_387] : memref<320000xi32, #tpu.memory_space<hbm>> -> memref<80xi32, #tpu.memory_space<hbm>>
        tpu.enqueue_dma source(%dma_start3A_396 : memref<80xi32, #tpu.memory_space<hbm>>) target(%dma_start3A_395 : memref<80xi32, #tpu.memory_space<vmem>>) target_semaphore(%arg14 : memref<!tpu.dma_semaphore, #tpu.memory_space<semaphore_mem>>)
      } else {
      }
      %add3A_262 = arith.constant 1 : i32
      %add3A_263 = arith.addi %add3A_225, %add3A_262 : i32
      %lt3A_264 = arith.constant 125 : i32
      %lt3A_265 = arith.cmpi slt, %add3A_263, %lt3A_264 : i32
      %convert_element_type3A_266 = arith.extui %lt3A_265 : i1 to i32
      %cond3A_267 = arith.constant 0 : i32
      %cond3A_268 = arith.cmpi ne, %convert_element_type3A_266, %cond3A_267 : i32
      scf.if %cond3A_268 {
        %add3A_363 = arith.constant 1 : i32
        %add3A_364 = arith.addi %add3A_225, %add3A_363 : i32
        %mul3A_365 = arith.constant 10000 : i32
        %mul3A_366 = arith.muli %add3A, %mul3A_365 : i32
        %multiple_of3A_367 = tpu.assume_multiple %mul3A_366, 8 : i32
        %mul3A_368 = arith.constant 80 : i32
        %mul3A_369 = arith.muli %add3A_364, %mul3A_368 : i32
        %multiple_of3A_370 = tpu.assume_multiple %mul3A_369, 8 : i32
        %add3A_371 = arith.addi %multiple_of3A_367, %multiple_of3A_370 : i32
        %dma_wait3A_372 = arith.constant 2 : i32
        %dma_wait3A_373 = arith.constant 0 : i32
        %dma_wait3A_374 = tpu.memref_slice %arg7[%dma_wait3A_372, %dma_wait3A_373] : memref<4x80xi32, #tpu.memory_space<vmem>> -> memref<1x80xi32, #tpu.memory_space<vmem>>
        %dma_wait3A_375 = tpu.memref_squeeze %dma_wait3A_374 : memref<1x80xi32, #tpu.memory_space<vmem>> -> memref<80xi32, #tpu.memory_space<vmem>>
        %dma_wait3A_376 = tpu.memref_slice %arg2[%add3A_371] : memref<320000xi32, #tpu.memory_space<hbm>> -> memref<80xi32, #tpu.memory_space<hbm>>
        %dma_wait3A_377 = arith.constant 0 : i32
        %dma_wait3A_378 = tpu.memref_slice %arg7[%dma_wait3A_372, %dma_wait3A_377] : memref<4x80xi32, #tpu.memory_space<vmem>> -> memref<1x80xi32, #tpu.memory_space<vmem>>
        %dma_wait3A_379 = tpu.memref_squeeze %dma_wait3A_378 : memref<1x80xi32, #tpu.memory_space<vmem>> -> memref<80xi32, #tpu.memory_space<vmem>>
        %dma_wait3A_380 = tpu.memref_slice %arg2[%add3A_371] : memref<320000xi32, #tpu.memory_space<hbm>> -> memref<80xi32, #tpu.memory_space<hbm>>
        tpu.wait_dma2 semaphore(%arg13 : memref<!tpu.dma_semaphore, #tpu.memory_space<semaphore_mem>>) src(%dma_wait3A_380 : memref<80xi32, #tpu.memory_space<hbm>>) dst(%dma_wait3A_379 : memref<80xi32, #tpu.memory_space<vmem>>)
        %mul3A_381 = arith.constant 10000 : i32
        %mul3A_382 = arith.muli %add3A, %mul3A_381 : i32
        %multiple_of3A_383 = tpu.assume_multiple %mul3A_382, 8 : i32
        %mul3A_384 = arith.constant 80 : i32
        %mul3A_385 = arith.muli %add3A_364, %mul3A_384 : i32
        %multiple_of3A_386 = tpu.assume_multiple %mul3A_385, 8 : i32
        %add3A_387 = arith.addi %multiple_of3A_383, %multiple_of3A_386 : i32
        %dma_wait3A_388 = arith.constant 2 : i32
        %dma_wait3A_389 = arith.constant 0 : i32
        %dma_wait3A_390 = tpu.memref_slice %arg8[%dma_wait3A_388, %dma_wait3A_389] : memref<4x80xi32, #tpu.memory_space<vmem>> -> memref<1x80xi32, #tpu.memory_space<vmem>>
        %dma_wait3A_391 = tpu.memref_squeeze %dma_wait3A_390 : memref<1x80xi32, #tpu.memory_space<vmem>> -> memref<80xi32, #tpu.memory_space<vmem>>
        %dma_wait3A_392 = tpu.memref_slice %arg3[%add3A_387] : memref<320000xi32, #tpu.memory_space<hbm>> -> memref<80xi32, #tpu.memory_space<hbm>>
        %dma_wait3A_393 = arith.constant 0 : i32
        %dma_wait3A_394 = tpu.memref_slice %arg8[%dma_wait3A_388, %dma_wait3A_393] : memref<4x80xi32, #tpu.memory_space<vmem>> -> memref<1x80xi32, #tpu.memory_space<vmem>>
        %dma_wait3A_395 = tpu.memref_squeeze %dma_wait3A_394 : memref<1x80xi32, #tpu.memory_space<vmem>> -> memref<80xi32, #tpu.memory_space<vmem>>
        %dma_wait3A_396 = tpu.memref_slice %arg3[%add3A_387] : memref<320000xi32, #tpu.memory_space<hbm>> -> memref<80xi32, #tpu.memory_space<hbm>>
        tpu.wait_dma2 semaphore(%arg13 : memref<!tpu.dma_semaphore, #tpu.memory_space<semaphore_mem>>) src(%dma_wait3A_396 : memref<80xi32, #tpu.memory_space<hbm>>) dst(%dma_wait3A_395 : memref<80xi32, #tpu.memory_space<vmem>>)
        %add3A_397 = arith.constant 1 : i32
        %add3A_398 = arith.addi %add3A_225, %add3A_397 : i32
        %dma_start3A_399 = arith.constant 2 : i32
        %dma_start3A_400 = arith.constant 2 : i32
        %dma_start3A_401 = arith.constant 0 : i32
        %dma_start3A_402 = arith.constant 0 : i32
        %dma_start3A_403 = tpu.memref_slice %arg9[%dma_start3A_400, %dma_start3A_401, %dma_start3A_402] : memref<4x80x128xf32, #tpu.memory_space<vmem>> -> memref<1x80x128xf32, #tpu.memory_space<vmem>>
        %dma_start3A_404 = tpu.memref_squeeze %dma_start3A_403 : memref<1x80x128xf32, #tpu.memory_space<vmem>> -> memref<80x128xf32, #tpu.memory_space<vmem>>
        %dma_start3A_405 = arith.constant 0 : i32
        %dma_start3A_406 = tpu.memref_slice %arg7[%dma_start3A_399, %dma_start3A_405] : memref<4x80xi32, #tpu.memory_space<vmem>> -> memref<1x80xi32, #tpu.memory_space<vmem>>
        %dma_start3A_407 = tpu.memref_squeeze %dma_start3A_406 : memref<1x80xi32, #tpu.memory_space<vmem>> -> memref<80xi32, #tpu.memory_space<vmem>>
        %dma_start3A_408 = arith.constant 0 : i32
        %dma_start3A_409 = arith.constant 0 : i32
        %dma_start3A_410 = tpu.memref_slice %arg4[%dma_start3A_408, %dma_start3A_409] : memref<10000x128xf32, #tpu.memory_space<hbm>> -> memref<10000x128xf32, #tpu.memory_space<hbm>>
        tpu.enqueue_indirect_dma source(%dma_start3A_410 : memref<10000x128xf32, #tpu.memory_space<hbm>>) target(%dma_start3A_404 : memref<80x128xf32, #tpu.memory_space<vmem>>) offsets(%dma_start3A_407 : memref<80xi32, #tpu.memory_space<vmem>>) semaphore(%arg17 : memref<!tpu.dma_semaphore, #tpu.memory_space<semaphore_mem>>)
      } else {
      }
      %mul3A_269 = arith.constant 4 : i32
      %mul3A_270 = arith.muli %scan3A_176, %mul3A_269 : i32
      %add3A_271 = arith.constant 2 : i32
      %add3A_272 = arith.addi %mul3A_270, %add3A_271 : i32
      %dma_wait3A_273 = arith.constant 2 : i32
      %dma_wait3A_274 = arith.constant 2 : i32
      %dma_wait3A_275 = arith.constant 0 : i32
      %dma_wait3A_276 = arith.constant 0 : i32
      %dma_wait3A_277 = tpu.memref_slice %arg9[%dma_wait3A_274, %dma_wait3A_275, %dma_wait3A_276] : memref<4x80x128xf32, #tpu.memory_space<vmem>> -> memref<1x80x128xf32, #tpu.memory_space<vmem>>
      %dma_wait3A_278 = tpu.memref_squeeze %dma_wait3A_277 : memref<1x80x128xf32, #tpu.memory_space<vmem>> -> memref<80x128xf32, #tpu.memory_space<vmem>>
      %dma_wait3A_279 = arith.constant 0 : i32
      %dma_wait3A_280 = tpu.memref_slice %arg7[%dma_wait3A_273, %dma_wait3A_279] : memref<4x80xi32, #tpu.memory_space<vmem>> -> memref<1x80xi32, #tpu.memory_space<vmem>>
      %dma_wait3A_281 = tpu.memref_squeeze %dma_wait3A_280 : memref<1x80xi32, #tpu.memory_space<vmem>> -> memref<80xi32, #tpu.memory_space<vmem>>
      %dma_wait3A_282 = arith.constant 0 : i32
      %dma_wait3A_283 = arith.constant 0 : i32
      %dma_wait3A_284 = tpu.memref_slice %arg4[%dma_wait3A_282, %dma_wait3A_283] : memref<10000x128xf32, #tpu.memory_space<hbm>> -> memref<10000x128xf32, #tpu.memory_space<hbm>>
      tpu.wait_indirect_dma semaphore(%arg17 : memref<!tpu.dma_semaphore, #tpu.memory_space<semaphore_mem>>) src(%dma_wait3A_284 : memref<10000x128xf32, #tpu.memory_space<hbm>>) dst(%dma_wait3A_278 : memref<80x128xf32, #tpu.memory_space<vmem>>)
      %dma_start3A_285 = arith.constant 2 : i32
      %dma_start3A_286 = arith.constant 2 : i32
      %dma_start3A_287 = arith.constant 0 : i32
      %dma_start3A_288 = arith.constant 0 : i32
      %dma_start3A_289 = tpu.memref_slice %arg9[%dma_start3A_285, %dma_start3A_287, %dma_start3A_288] : memref<4x80x128xf32, #tpu.memory_space<vmem>> -> memref<1x80x128xf32, #tpu.memory_space<vmem>>
      %dma_start3A_290 = tpu.memref_squeeze %dma_start3A_289 : memref<1x80x128xf32, #tpu.memory_space<vmem>> -> memref<80x128xf32, #tpu.memory_space<vmem>>
      %dma_start3A_291 = arith.constant 0 : i32
      %dma_start3A_292 = tpu.memref_slice %arg8[%dma_start3A_286, %dma_start3A_291] : memref<4x80xi32, #tpu.memory_space<vmem>> -> memref<1x80xi32, #tpu.memory_space<vmem>>
      %dma_start3A_293 = tpu.memref_squeeze %dma_start3A_292 : memref<1x80xi32, #tpu.memory_space<vmem>> -> memref<80xi32, #tpu.memory_space<vmem>>
      %dma_start3A_294 = arith.constant 0 : i32
      %dma_start3A_295 = arith.constant 0 : i32
      %dma_start3A_296 = tpu.memref_slice %arg10[%dma_start3A_294, %dma_start3A_295] : memref<10000x128xf32, #tpu.memory_space<vmem_shared>> -> memref<10000x128xf32, #tpu.memory_space<vmem_shared>>
      tpu.enqueue_indirect_dma source(%dma_start3A_290 : memref<80x128xf32, #tpu.memory_space<vmem>>) target(%dma_start3A_296 : memref<10000x128xf32, #tpu.memory_space<vmem_shared>>) offsets(%dma_start3A_293 : memref<80xi32, #tpu.memory_space<vmem>>) semaphore(%arg21 : memref<!tpu.dma_semaphore, #tpu.memory_space<semaphore_mem>>) {add = true}
      %ge3A_297 = arith.constant 2 : i32
      %ge3A_298 = arith.cmpi sge, %add3A_272, %ge3A_297 : i32
      %convert_element_type3A_299 = arith.extui %ge3A_298 : i1 to i32
      %cond3A_300 = arith.constant 0 : i32
      %cond3A_301 = arith.cmpi ne, %convert_element_type3A_299, %cond3A_300 : i32
      scf.if %cond3A_301 {
        %dma_wait3A_363 = arith.constant 0 : i32
        %dma_wait3A_364 = arith.constant 0 : i32
        %dma_wait3A_365 = arith.constant 0 : i32
        %dma_wait3A_366 = arith.constant 0 : i32
        %dma_wait3A_367 = tpu.memref_slice %arg9[%dma_wait3A_363, %dma_wait3A_365, %dma_wait3A_366] : memref<4x80x128xf32, #tpu.memory_space<vmem>> -> memref<1x80x128xf32, #tpu.memory_space<vmem>>
        %dma_wait3A_368 = tpu.memref_squeeze %dma_wait3A_367 : memref<1x80x128xf32, #tpu.memory_space<vmem>> -> memref<80x128xf32, #tpu.memory_space<vmem>>
        %dma_wait3A_369 = arith.constant 0 : i32
        %dma_wait3A_370 = tpu.memref_slice %arg8[%dma_wait3A_364, %dma_wait3A_369] : memref<4x80xi32, #tpu.memory_space<vmem>> -> memref<1x80xi32, #tpu.memory_space<vmem>>
        %dma_wait3A_371 = tpu.memref_squeeze %dma_wait3A_370 : memref<1x80xi32, #tpu.memory_space<vmem>> -> memref<80xi32, #tpu.memory_space<vmem>>
        %dma_wait3A_372 = arith.constant 0 : i32
        %dma_wait3A_373 = arith.constant 0 : i32
        %dma_wait3A_374 = tpu.memref_slice %arg10[%dma_wait3A_372, %dma_wait3A_373] : memref<10000x128xf32, #tpu.memory_space<vmem_shared>> -> memref<10000x128xf32, #tpu.memory_space<vmem_shared>>
        tpu.wait_indirect_dma semaphore(%arg19 : memref<!tpu.dma_semaphore, #tpu.memory_space<semaphore_mem>>) src(%dma_wait3A_368 : memref<80x128xf32, #tpu.memory_space<vmem>>) dst(%dma_wait3A_374 : memref<10000x128xf32, #tpu.memory_space<vmem_shared>>)
      } else {
      }
      %add3A_302 = arith.constant 2 : i32
      %add3A_303 = arith.addi %add3A_272, %add3A_302 : i32
      %lt3A_304 = arith.constant 125 : i32
      %lt3A_305 = arith.cmpi slt, %add3A_303, %lt3A_304 : i32
      %convert_element_type3A_306 = arith.extui %lt3A_305 : i1 to i32
      %cond3A_307 = arith.constant 0 : i32
      %cond3A_308 = arith.cmpi ne, %convert_element_type3A_306, %cond3A_307 : i32
      scf.if %cond3A_308 {
        %add3A_363 = arith.constant 2 : i32
        %add3A_364 = arith.addi %add3A_272, %add3A_363 : i32
        %mul3A_365 = arith.constant 10000 : i32
        %mul3A_366 = arith.muli %add3A, %mul3A_365 : i32
        %multiple_of3A_367 = tpu.assume_multiple %mul3A_366, 8 : i32
        %mul3A_368 = arith.constant 80 : i32
        %mul3A_369 = arith.muli %add3A_364, %mul3A_368 : i32
        %multiple_of3A_370 = tpu.assume_multiple %mul3A_369, 8 : i32
        %add3A_371 = arith.addi %multiple_of3A_367, %multiple_of3A_370 : i32
        %dma_start3A_372 = arith.constant 0 : i32
        %dma_start3A_373 = arith.constant 0 : i32
        %dma_start3A_374 = tpu.memref_slice %arg7[%dma_start3A_372, %dma_start3A_373] : memref<4x80xi32, #tpu.memory_space<vmem>> -> memref<1x80xi32, #tpu.memory_space<vmem>>
        %dma_start3A_375 = tpu.memref_squeeze %dma_start3A_374 : memref<1x80xi32, #tpu.memory_space<vmem>> -> memref<80xi32, #tpu.memory_space<vmem>>
        %dma_start3A_376 = tpu.memref_slice %arg2[%add3A_371] : memref<320000xi32, #tpu.memory_space<hbm>> -> memref<80xi32, #tpu.memory_space<hbm>>
        %dma_start3A_377 = arith.constant 0 : i32
        %dma_start3A_378 = tpu.memref_slice %arg7[%dma_start3A_372, %dma_start3A_377] : memref<4x80xi32, #tpu.memory_space<vmem>> -> memref<1x80xi32, #tpu.memory_space<vmem>>
        %dma_start3A_379 = tpu.memref_squeeze %dma_start3A_378 : memref<1x80xi32, #tpu.memory_space<vmem>> -> memref<80xi32, #tpu.memory_space<vmem>>
        %dma_start3A_380 = tpu.memref_slice %arg2[%add3A_371] : memref<320000xi32, #tpu.memory_space<hbm>> -> memref<80xi32, #tpu.memory_space<hbm>>
        tpu.enqueue_dma source(%dma_start3A_380 : memref<80xi32, #tpu.memory_space<hbm>>) target(%dma_start3A_379 : memref<80xi32, #tpu.memory_space<vmem>>) target_semaphore(%arg11 : memref<!tpu.dma_semaphore, #tpu.memory_space<semaphore_mem>>)
        %mul3A_381 = arith.constant 10000 : i32
        %mul3A_382 = arith.muli %add3A, %mul3A_381 : i32
        %multiple_of3A_383 = tpu.assume_multiple %mul3A_382, 8 : i32
        %mul3A_384 = arith.constant 80 : i32
        %mul3A_385 = arith.muli %add3A_364, %mul3A_384 : i32
        %multiple_of3A_386 = tpu.assume_multiple %mul3A_385, 8 : i32
        %add3A_387 = arith.addi %multiple_of3A_383, %multiple_of3A_386 : i32
        %dma_start3A_388 = arith.constant 0 : i32
        %dma_start3A_389 = arith.constant 0 : i32
        %dma_start3A_390 = tpu.memref_slice %arg8[%dma_start3A_388, %dma_start3A_389] : memref<4x80xi32, #tpu.memory_space<vmem>> -> memref<1x80xi32, #tpu.memory_space<vmem>>
        %dma_start3A_391 = tpu.memref_squeeze %dma_start3A_390 : memref<1x80xi32, #tpu.memory_space<vmem>> -> memref<80xi32, #tpu.memory_space<vmem>>
        %dma_start3A_392 = tpu.memref_slice %arg3[%add3A_387] : memref<320000xi32, #tpu.memory_space<hbm>> -> memref<80xi32, #tpu.memory_space<hbm>>
        %dma_start3A_393 = arith.constant 0 : i32
        %dma_start3A_394 = tpu.memref_slice %arg8[%dma_start3A_388, %dma_start3A_393] : memref<4x80xi32, #tpu.memory_space<vmem>> -> memref<1x80xi32, #tpu.memory_space<vmem>>
        %dma_start3A_395 = tpu.memref_squeeze %dma_start3A_394 : memref<1x80xi32, #tpu.memory_space<vmem>> -> memref<80xi32, #tpu.memory_space<vmem>>
        %dma_start3A_396 = tpu.memref_slice %arg3[%add3A_387] : memref<320000xi32, #tpu.memory_space<hbm>> -> memref<80xi32, #tpu.memory_space<hbm>>
        tpu.enqueue_dma source(%dma_start3A_396 : memref<80xi32, #tpu.memory_space<hbm>>) target(%dma_start3A_395 : memref<80xi32, #tpu.memory_space<vmem>>) target_semaphore(%arg11 : memref<!tpu.dma_semaphore, #tpu.memory_space<semaphore_mem>>)
      } else {
      }
      %add3A_309 = arith.constant 1 : i32
      %add3A_310 = arith.addi %add3A_272, %add3A_309 : i32
      %lt3A_311 = arith.constant 125 : i32
      %lt3A_312 = arith.cmpi slt, %add3A_310, %lt3A_311 : i32
      %convert_element_type3A_313 = arith.extui %lt3A_312 : i1 to i32
      %cond3A_314 = arith.constant 0 : i32
      %cond3A_315 = arith.cmpi ne, %convert_element_type3A_313, %cond3A_314 : i32
      scf.if %cond3A_315 {
        %add3A_363 = arith.constant 1 : i32
        %add3A_364 = arith.addi %add3A_272, %add3A_363 : i32
        %mul3A_365 = arith.constant 10000 : i32
        %mul3A_366 = arith.muli %add3A, %mul3A_365 : i32
        %multiple_of3A_367 = tpu.assume_multiple %mul3A_366, 8 : i32
        %mul3A_368 = arith.constant 80 : i32
        %mul3A_369 = arith.muli %add3A_364, %mul3A_368 : i32
        %multiple_of3A_370 = tpu.assume_multiple %mul3A_369, 8 : i32
        %add3A_371 = arith.addi %multiple_of3A_367, %multiple_of3A_370 : i32
        %dma_wait3A_372 = arith.constant 3 : i32
        %dma_wait3A_373 = arith.constant 0 : i32
        %dma_wait3A_374 = tpu.memref_slice %arg7[%dma_wait3A_372, %dma_wait3A_373] : memref<4x80xi32, #tpu.memory_space<vmem>> -> memref<1x80xi32, #tpu.memory_space<vmem>>
        %dma_wait3A_375 = tpu.memref_squeeze %dma_wait3A_374 : memref<1x80xi32, #tpu.memory_space<vmem>> -> memref<80xi32, #tpu.memory_space<vmem>>
        %dma_wait3A_376 = tpu.memref_slice %arg2[%add3A_371] : memref<320000xi32, #tpu.memory_space<hbm>> -> memref<80xi32, #tpu.memory_space<hbm>>
        %dma_wait3A_377 = arith.constant 0 : i32
        %dma_wait3A_378 = tpu.memref_slice %arg7[%dma_wait3A_372, %dma_wait3A_377] : memref<4x80xi32, #tpu.memory_space<vmem>> -> memref<1x80xi32, #tpu.memory_space<vmem>>
        %dma_wait3A_379 = tpu.memref_squeeze %dma_wait3A_378 : memref<1x80xi32, #tpu.memory_space<vmem>> -> memref<80xi32, #tpu.memory_space<vmem>>
        %dma_wait3A_380 = tpu.memref_slice %arg2[%add3A_371] : memref<320000xi32, #tpu.memory_space<hbm>> -> memref<80xi32, #tpu.memory_space<hbm>>
        tpu.wait_dma2 semaphore(%arg14 : memref<!tpu.dma_semaphore, #tpu.memory_space<semaphore_mem>>) src(%dma_wait3A_380 : memref<80xi32, #tpu.memory_space<hbm>>) dst(%dma_wait3A_379 : memref<80xi32, #tpu.memory_space<vmem>>)
        %mul3A_381 = arith.constant 10000 : i32
        %mul3A_382 = arith.muli %add3A, %mul3A_381 : i32
        %multiple_of3A_383 = tpu.assume_multiple %mul3A_382, 8 : i32
        %mul3A_384 = arith.constant 80 : i32
        %mul3A_385 = arith.muli %add3A_364, %mul3A_384 : i32
        %multiple_of3A_386 = tpu.assume_multiple %mul3A_385, 8 : i32
        %add3A_387 = arith.addi %multiple_of3A_383, %multiple_of3A_386 : i32
        %dma_wait3A_388 = arith.constant 3 : i32
        %dma_wait3A_389 = arith.constant 0 : i32
        %dma_wait3A_390 = tpu.memref_slice %arg8[%dma_wait3A_388, %dma_wait3A_389] : memref<4x80xi32, #tpu.memory_space<vmem>> -> memref<1x80xi32, #tpu.memory_space<vmem>>
        %dma_wait3A_391 = tpu.memref_squeeze %dma_wait3A_390 : memref<1x80xi32, #tpu.memory_space<vmem>> -> memref<80xi32, #tpu.memory_space<vmem>>
        %dma_wait3A_392 = tpu.memref_slice %arg3[%add3A_387] : memref<320000xi32, #tpu.memory_space<hbm>> -> memref<80xi32, #tpu.memory_space<hbm>>
        %dma_wait3A_393 = arith.constant 0 : i32
        %dma_wait3A_394 = tpu.memref_slice %arg8[%dma_wait3A_388, %dma_wait3A_393] : memref<4x80xi32, #tpu.memory_space<vmem>> -> memref<1x80xi32, #tpu.memory_space<vmem>>
        %dma_wait3A_395 = tpu.memref_squeeze %dma_wait3A_394 : memref<1x80xi32, #tpu.memory_space<vmem>> -> memref<80xi32, #tpu.memory_space<vmem>>
        %dma_wait3A_396 = tpu.memref_slice %arg3[%add3A_387] : memref<320000xi32, #tpu.memory_space<hbm>> -> memref<80xi32, #tpu.memory_space<hbm>>
        tpu.wait_dma2 semaphore(%arg14 : memref<!tpu.dma_semaphore, #tpu.memory_space<semaphore_mem>>) src(%dma_wait3A_396 : memref<80xi32, #tpu.memory_space<hbm>>) dst(%dma_wait3A_395 : memref<80xi32, #tpu.memory_space<vmem>>)
        %add3A_397 = arith.constant 1 : i32
        %add3A_398 = arith.addi %add3A_272, %add3A_397 : i32
        %dma_start3A_399 = arith.constant 3 : i32
        %dma_start3A_400 = arith.constant 3 : i32
        %dma_start3A_401 = arith.constant 0 : i32
        %dma_start3A_402 = arith.constant 0 : i32
        %dma_start3A_403 = tpu.memref_slice %arg9[%dma_start3A_400, %dma_start3A_401, %dma_start3A_402] : memref<4x80x128xf32, #tpu.memory_space<vmem>> -> memref<1x80x128xf32, #tpu.memory_space<vmem>>
        %dma_start3A_404 = tpu.memref_squeeze %dma_start3A_403 : memref<1x80x128xf32, #tpu.memory_space<vmem>> -> memref<80x128xf32, #tpu.memory_space<vmem>>
        %dma_start3A_405 = arith.constant 0 : i32
        %dma_start3A_406 = tpu.memref_slice %arg7[%dma_start3A_399, %dma_start3A_405] : memref<4x80xi32, #tpu.memory_space<vmem>> -> memref<1x80xi32, #tpu.memory_space<vmem>>
        %dma_start3A_407 = tpu.memref_squeeze %dma_start3A_406 : memref<1x80xi32, #tpu.memory_space<vmem>> -> memref<80xi32, #tpu.memory_space<vmem>>
        %dma_start3A_408 = arith.constant 0 : i32
        %dma_start3A_409 = arith.constant 0 : i32
        %dma_start3A_410 = tpu.memref_slice %arg4[%dma_start3A_408, %dma_start3A_409] : memref<10000x128xf32, #tpu.memory_space<hbm>> -> memref<10000x128xf32, #tpu.memory_space<hbm>>
        tpu.enqueue_indirect_dma source(%dma_start3A_410 : memref<10000x128xf32, #tpu.memory_space<hbm>>) target(%dma_start3A_404 : memref<80x128xf32, #tpu.memory_space<vmem>>) offsets(%dma_start3A_407 : memref<80xi32, #tpu.memory_space<vmem>>) semaphore(%arg18 : memref<!tpu.dma_semaphore, #tpu.memory_space<semaphore_mem>>)
      } else {
      }
      %mul3A_316 = arith.constant 4 : i32
      %mul3A_317 = arith.muli %scan3A_176, %mul3A_316 : i32
      %add3A_318 = arith.constant 3 : i32
      %add3A_319 = arith.addi %mul3A_317, %add3A_318 : i32
      %dma_wait3A_320 = arith.constant 3 : i32
      %dma_wait3A_321 = arith.constant 3 : i32
      %dma_wait3A_322 = arith.constant 0 : i32
      %dma_wait3A_323 = arith.constant 0 : i32
      %dma_wait3A_324 = tpu.memref_slice %arg9[%dma_wait3A_321, %dma_wait3A_322, %dma_wait3A_323] : memref<4x80x128xf32, #tpu.memory_space<vmem>> -> memref<1x80x128xf32, #tpu.memory_space<vmem>>
      %dma_wait3A_325 = tpu.memref_squeeze %dma_wait3A_324 : memref<1x80x128xf32, #tpu.memory_space<vmem>> -> memref<80x128xf32, #tpu.memory_space<vmem>>
      %dma_wait3A_326 = arith.constant 0 : i32
      %dma_wait3A_327 = tpu.memref_slice %arg7[%dma_wait3A_320, %dma_wait3A_326] : memref<4x80xi32, #tpu.memory_space<vmem>> -> memref<1x80xi32, #tpu.memory_space<vmem>>
      %dma_wait3A_328 = tpu.memref_squeeze %dma_wait3A_327 : memref<1x80xi32, #tpu.memory_space<vmem>> -> memref<80xi32, #tpu.memory_space<vmem>>
      %dma_wait3A_329 = arith.constant 0 : i32
      %dma_wait3A_330 = arith.constant 0 : i32
      %dma_wait3A_331 = tpu.memref_slice %arg4[%dma_wait3A_329, %dma_wait3A_330] : memref<10000x128xf32, #tpu.memory_space<hbm>> -> memref<10000x128xf32, #tpu.memory_space<hbm>>
      tpu.wait_indirect_dma semaphore(%arg18 : memref<!tpu.dma_semaphore, #tpu.memory_space<semaphore_mem>>) src(%dma_wait3A_331 : memref<10000x128xf32, #tpu.memory_space<hbm>>) dst(%dma_wait3A_325 : memref<80x128xf32, #tpu.memory_space<vmem>>)
      %dma_start3A_332 = arith.constant 3 : i32
      %dma_start3A_333 = arith.constant 3 : i32
      %dma_start3A_334 = arith.constant 0 : i32
      %dma_start3A_335 = arith.constant 0 : i32
      %dma_start3A_336 = tpu.memref_slice %arg9[%dma_start3A_332, %dma_start3A_334, %dma_start3A_335] : memref<4x80x128xf32, #tpu.memory_space<vmem>> -> memref<1x80x128xf32, #tpu.memory_space<vmem>>
      %dma_start3A_337 = tpu.memref_squeeze %dma_start3A_336 : memref<1x80x128xf32, #tpu.memory_space<vmem>> -> memref<80x128xf32, #tpu.memory_space<vmem>>
      %dma_start3A_338 = arith.constant 0 : i32
      %dma_start3A_339 = tpu.memref_slice %arg8[%dma_start3A_333, %dma_start3A_338] : memref<4x80xi32, #tpu.memory_space<vmem>> -> memref<1x80xi32, #tpu.memory_space<vmem>>
      %dma_start3A_340 = tpu.memref_squeeze %dma_start3A_339 : memref<1x80xi32, #tpu.memory_space<vmem>> -> memref<80xi32, #tpu.memory_space<vmem>>
      %dma_start3A_341 = arith.constant 0 : i32
      %dma_start3A_342 = arith.constant 0 : i32
      %dma_start3A_343 = tpu.memref_slice %arg10[%dma_start3A_341, %dma_start3A_342] : memref<10000x128xf32, #tpu.memory_space<vmem_shared>> -> memref<10000x128xf32, #tpu.memory_space<vmem_shared>>
      tpu.enqueue_indirect_dma source(%dma_start3A_337 : memref<80x128xf32, #tpu.memory_space<vmem>>) target(%dma_start3A_343 : memref<10000x128xf32, #tpu.memory_space<vmem_shared>>) offsets(%dma_start3A_340 : memref<80xi32, #tpu.memory_space<vmem>>) semaphore(%arg22 : memref<!tpu.dma_semaphore, #tpu.memory_space<semaphore_mem>>) {add = true}
      %ge3A_344 = arith.constant 2 : i32
      %ge3A_345 = arith.cmpi sge, %add3A_319, %ge3A_344 : i32
      %convert_element_type3A_346 = arith.extui %ge3A_345 : i1 to i32
      %cond3A_347 = arith.constant 0 : i32
      %cond3A_348 = arith.cmpi ne, %convert_element_type3A_346, %cond3A_347 : i32
      scf.if %cond3A_348 {
        %dma_wait3A_363 = arith.constant 1 : i32
        %dma_wait3A_364 = arith.constant 0 : i32
        %dma_wait3A_365 = arith.constant 0 : i32
        %dma_wait3A_366 = arith.constant 0 : i32
        %dma_wait3A_367 = tpu.memref_slice %arg9[%dma_wait3A_363, %dma_wait3A_365, %dma_wait3A_366] : memref<4x80x128xf32, #tpu.memory_space<vmem>> -> memref<1x80x128xf32, #tpu.memory_space<vmem>>
        %dma_wait3A_368 = tpu.memref_squeeze %dma_wait3A_367 : memref<1x80x128xf32, #tpu.memory_space<vmem>> -> memref<80x128xf32, #tpu.memory_space<vmem>>
        %dma_wait3A_369 = arith.constant 0 : i32
        %dma_wait3A_370 = tpu.memref_slice %arg8[%dma_wait3A_364, %dma_wait3A_369] : memref<4x80xi32, #tpu.memory_space<vmem>> -> memref<1x80xi32, #tpu.memory_space<vmem>>
        %dma_wait3A_371 = tpu.memref_squeeze %dma_wait3A_370 : memref<1x80xi32, #tpu.memory_space<vmem>> -> memref<80xi32, #tpu.memory_space<vmem>>
        %dma_wait3A_372 = arith.constant 0 : i32
        %dma_wait3A_373 = arith.constant 0 : i32
        %dma_wait3A_374 = tpu.memref_slice %arg10[%dma_wait3A_372, %dma_wait3A_373] : memref<10000x128xf32, #tpu.memory_space<vmem_shared>> -> memref<10000x128xf32, #tpu.memory_space<vmem_shared>>
        tpu.wait_indirect_dma semaphore(%arg20 : memref<!tpu.dma_semaphore, #tpu.memory_space<semaphore_mem>>) src(%dma_wait3A_368 : memref<80x128xf32, #tpu.memory_space<vmem>>) dst(%dma_wait3A_374 : memref<10000x128xf32, #tpu.memory_space<vmem_shared>>)
      } else {
      }
      %add3A_349 = arith.constant 2 : i32
      %add3A_350 = arith.addi %add3A_319, %add3A_349 : i32
      %lt3A_351 = arith.constant 125 : i32
      %lt3A_352 = arith.cmpi slt, %add3A_350, %lt3A_351 : i32
      %convert_element_type3A_353 = arith.extui %lt3A_352 : i1 to i32
      %cond3A_354 = arith.constant 0 : i32
      %cond3A_355 = arith.cmpi ne, %convert_element_type3A_353, %cond3A_354 : i32
      scf.if %cond3A_355 {
        %add3A_363 = arith.constant 2 : i32
        %add3A_364 = arith.addi %add3A_319, %add3A_363 : i32
        %mul3A_365 = arith.constant 10000 : i32
        %mul3A_366 = arith.muli %add3A, %mul3A_365 : i32
        %multiple_of3A_367 = tpu.assume_multiple %mul3A_366, 8 : i32
        %mul3A_368 = arith.constant 80 : i32
        %mul3A_369 = arith.muli %add3A_364, %mul3A_368 : i32
        %multiple_of3A_370 = tpu.assume_multiple %mul3A_369, 8 : i32
        %add3A_371 = arith.addi %multiple_of3A_367, %multiple_of3A_370 : i32
        %dma_start3A_372 = arith.constant 1 : i32
        %dma_start3A_373 = arith.constant 0 : i32
        %dma_start3A_374 = tpu.memref_slice %arg7[%dma_start3A_372, %dma_start3A_373] : memref<4x80xi32, #tpu.memory_space<vmem>> -> memref<1x80xi32, #tpu.memory_space<vmem>>
        %dma_start3A_375 = tpu.memref_squeeze %dma_start3A_374 : memref<1x80xi32, #tpu.memory_space<vmem>> -> memref<80xi32, #tpu.memory_space<vmem>>
        %dma_start3A_376 = tpu.memref_slice %arg2[%add3A_371] : memref<320000xi32, #tpu.memory_space<hbm>> -> memref<80xi32, #tpu.memory_space<hbm>>
        %dma_start3A_377 = arith.constant 0 : i32
        %dma_start3A_378 = tpu.memref_slice %arg7[%dma_start3A_372, %dma_start3A_377] : memref<4x80xi32, #tpu.memory_space<vmem>> -> memref<1x80xi32, #tpu.memory_space<vmem>>
        %dma_start3A_379 = tpu.memref_squeeze %dma_start3A_378 : memref<1x80xi32, #tpu.memory_space<vmem>> -> memref<80xi32, #tpu.memory_space<vmem>>
        %dma_start3A_380 = tpu.memref_slice %arg2[%add3A_371] : memref<320000xi32, #tpu.memory_space<hbm>> -> memref<80xi32, #tpu.memory_space<hbm>>
        tpu.enqueue_dma source(%dma_start3A_380 : memref<80xi32, #tpu.memory_space<hbm>>) target(%dma_start3A_379 : memref<80xi32, #tpu.memory_space<vmem>>) target_semaphore(%arg12 : memref<!tpu.dma_semaphore, #tpu.memory_space<semaphore_mem>>)
        %mul3A_381 = arith.constant 10000 : i32
        %mul3A_382 = arith.muli %add3A, %mul3A_381 : i32
        %multiple_of3A_383 = tpu.assume_multiple %mul3A_382, 8 : i32
        %mul3A_384 = arith.constant 80 : i32
        %mul3A_385 = arith.muli %add3A_364, %mul3A_384 : i32
        %multiple_of3A_386 = tpu.assume_multiple %mul3A_385, 8 : i32
        %add3A_387 = arith.addi %multiple_of3A_383, %multiple_of3A_386 : i32
        %dma_start3A_388 = arith.constant 1 : i32
        %dma_start3A_389 = arith.constant 0 : i32
        %dma_start3A_390 = tpu.memref_slice %arg8[%dma_start3A_388, %dma_start3A_389] : memref<4x80xi32, #tpu.memory_space<vmem>> -> memref<1x80xi32, #tpu.memory_space<vmem>>
        %dma_start3A_391 = tpu.memref_squeeze %dma_start3A_390 : memref<1x80xi32, #tpu.memory_space<vmem>> -> memref<80xi32, #tpu.memory_space<vmem>>
        %dma_start3A_392 = tpu.memref_slice %arg3[%add3A_387] : memref<320000xi32, #tpu.memory_space<hbm>> -> memref<80xi32, #tpu.memory_space<hbm>>
        %dma_start3A_393 = arith.constant 0 : i32
        %dma_start3A_394 = tpu.memref_slice %arg8[%dma_start3A_388, %dma_start3A_393] : memref<4x80xi32, #tpu.memory_space<vmem>> -> memref<1x80xi32, #tpu.memory_space<vmem>>
        %dma_start3A_395 = tpu.memref_squeeze %dma_start3A_394 : memref<1x80xi32, #tpu.memory_space<vmem>> -> memref<80xi32, #tpu.memory_space<vmem>>
        %dma_start3A_396 = tpu.memref_slice %arg3[%add3A_387] : memref<320000xi32, #tpu.memory_space<hbm>> -> memref<80xi32, #tpu.memory_space<hbm>>
        tpu.enqueue_dma source(%dma_start3A_396 : memref<80xi32, #tpu.memory_space<hbm>>) target(%dma_start3A_395 : memref<80xi32, #tpu.memory_space<vmem>>) target_semaphore(%arg12 : memref<!tpu.dma_semaphore, #tpu.memory_space<semaphore_mem>>)
      } else {
      }
      %add3A_356 = arith.constant 1 : i32
      %add3A_357 = arith.addi %add3A_319, %add3A_356 : i32
      %lt3A_358 = arith.constant 125 : i32
      %lt3A_359 = arith.cmpi slt, %add3A_357, %lt3A_358 : i32
      %convert_element_type3A_360 = arith.extui %lt3A_359 : i1 to i32
      %cond3A_361 = arith.constant 0 : i32
      %cond3A_362 = arith.cmpi ne, %convert_element_type3A_360, %cond3A_361 : i32
      scf.if %cond3A_362 {
        %add3A_363 = arith.constant 1 : i32
        %add3A_364 = arith.addi %add3A_319, %add3A_363 : i32
        %mul3A_365 = arith.constant 10000 : i32
        %mul3A_366 = arith.muli %add3A, %mul3A_365 : i32
        %multiple_of3A_367 = tpu.assume_multiple %mul3A_366, 8 : i32
        %mul3A_368 = arith.constant 80 : i32
        %mul3A_369 = arith.muli %add3A_364, %mul3A_368 : i32
        %multiple_of3A_370 = tpu.assume_multiple %mul3A_369, 8 : i32
        %add3A_371 = arith.addi %multiple_of3A_367, %multiple_of3A_370 : i32
        %dma_wait3A_372 = arith.constant 0 : i32
        %dma_wait3A_373 = arith.constant 0 : i32
        %dma_wait3A_374 = tpu.memref_slice %arg7[%dma_wait3A_372, %dma_wait3A_373] : memref<4x80xi32, #tpu.memory_space<vmem>> -> memref<1x80xi32, #tpu.memory_space<vmem>>
        %dma_wait3A_375 = tpu.memref_squeeze %dma_wait3A_374 : memref<1x80xi32, #tpu.memory_space<vmem>> -> memref<80xi32, #tpu.memory_space<vmem>>
        %dma_wait3A_376 = tpu.memref_slice %arg2[%add3A_371] : memref<320000xi32, #tpu.memory_space<hbm>> -> memref<80xi32, #tpu.memory_space<hbm>>
        %dma_wait3A_377 = arith.constant 0 : i32
        %dma_wait3A_378 = tpu.memref_slice %arg7[%dma_wait3A_372, %dma_wait3A_377] : memref<4x80xi32, #tpu.memory_space<vmem>> -> memref<1x80xi32, #tpu.memory_space<vmem>>
        %dma_wait3A_379 = tpu.memref_squeeze %dma_wait3A_378 : memref<1x80xi32, #tpu.memory_space<vmem>> -> memref<80xi32, #tpu.memory_space<vmem>>
        %dma_wait3A_380 = tpu.memref_slice %arg2[%add3A_371] : memref<320000xi32, #tpu.memory_space<hbm>> -> memref<80xi32, #tpu.memory_space<hbm>>
        tpu.wait_dma2 semaphore(%arg11 : memref<!tpu.dma_semaphore, #tpu.memory_space<semaphore_mem>>) src(%dma_wait3A_380 : memref<80xi32, #tpu.memory_space<hbm>>) dst(%dma_wait3A_379 : memref<80xi32, #tpu.memory_space<vmem>>)
        %mul3A_381 = arith.constant 10000 : i32
        %mul3A_382 = arith.muli %add3A, %mul3A_381 : i32
        %multiple_of3A_383 = tpu.assume_multiple %mul3A_382, 8 : i32
        %mul3A_384 = arith.constant 80 : i32
        %mul3A_385 = arith.muli %add3A_364, %mul3A_384 : i32
        %multiple_of3A_386 = tpu.assume_multiple %mul3A_385, 8 : i32
        %add3A_387 = arith.addi %multiple_of3A_383, %multiple_of3A_386 : i32
        %dma_wait3A_388 = arith.constant 0 : i32
        %dma_wait3A_389 = arith.constant 0 : i32
        %dma_wait3A_390 = tpu.memref_slice %arg8[%dma_wait3A_388, %dma_wait3A_389] : memref<4x80xi32, #tpu.memory_space<vmem>> -> memref<1x80xi32, #tpu.memory_space<vmem>>
        %dma_wait3A_391 = tpu.memref_squeeze %dma_wait3A_390 : memref<1x80xi32, #tpu.memory_space<vmem>> -> memref<80xi32, #tpu.memory_space<vmem>>
        %dma_wait3A_392 = tpu.memref_slice %arg3[%add3A_387] : memref<320000xi32, #tpu.memory_space<hbm>> -> memref<80xi32, #tpu.memory_space<hbm>>
        %dma_wait3A_393 = arith.constant 0 : i32
        %dma_wait3A_394 = tpu.memref_slice %arg8[%dma_wait3A_388, %dma_wait3A_393] : memref<4x80xi32, #tpu.memory_space<vmem>> -> memref<1x80xi32, #tpu.memory_space<vmem>>
        %dma_wait3A_395 = tpu.memref_squeeze %dma_wait3A_394 : memref<1x80xi32, #tpu.memory_space<vmem>> -> memref<80xi32, #tpu.memory_space<vmem>>
        %dma_wait3A_396 = tpu.memref_slice %arg3[%add3A_387] : memref<320000xi32, #tpu.memory_space<hbm>> -> memref<80xi32, #tpu.memory_space<hbm>>
        tpu.wait_dma2 semaphore(%arg11 : memref<!tpu.dma_semaphore, #tpu.memory_space<semaphore_mem>>) src(%dma_wait3A_396 : memref<80xi32, #tpu.memory_space<hbm>>) dst(%dma_wait3A_395 : memref<80xi32, #tpu.memory_space<vmem>>)
        %add3A_397 = arith.constant 1 : i32
        %add3A_398 = arith.addi %add3A_319, %add3A_397 : i32
        %dma_start3A_399 = arith.constant 0 : i32
        %dma_start3A_400 = arith.constant 0 : i32
        %dma_start3A_401 = arith.constant 0 : i32
        %dma_start3A_402 = arith.constant 0 : i32
        %dma_start3A_403 = tpu.memref_slice %arg9[%dma_start3A_400, %dma_start3A_401, %dma_start3A_402] : memref<4x80x128xf32, #tpu.memory_space<vmem>> -> memref<1x80x128xf32, #tpu.memory_space<vmem>>
        %dma_start3A_404 = tpu.memref_squeeze %dma_start3A_403 : memref<1x80x128xf32, #tpu.memory_space<vmem>> -> memref<80x128xf32, #tpu.memory_space<vmem>>
        %dma_start3A_405 = arith.constant 0 : i32
        %dma_start3A_406 = tpu.memref_slice %arg7[%dma_start3A_399, %dma_start3A_405] : memref<4x80xi32, #tpu.memory_space<vmem>> -> memref<1x80xi32, #tpu.memory_space<vmem>>
        %dma_start3A_407 = tpu.memref_squeeze %dma_start3A_406 : memref<1x80xi32, #tpu.memory_space<vmem>> -> memref<80xi32, #tpu.memory_space<vmem>>
        %dma_start3A_408 = arith.constant 0 : i32
        %dma_start3A_409 = arith.constant 0 : i32
        %dma_start3A_410 = tpu.memref_slice %arg4[%dma_start3A_408, %dma_start3A_409] : memref<10000x128xf32, #tpu.memory_space<hbm>> -> memref<10000x128xf32, #tpu.memory_space<hbm>>
        tpu.enqueue_indirect_dma source(%dma_start3A_410 : memref<10000x128xf32, #tpu.memory_space<hbm>>) target(%dma_start3A_404 : memref<80x128xf32, #tpu.memory_space<vmem>>) offsets(%dma_start3A_407 : memref<80xi32, #tpu.memory_space<vmem>>) semaphore(%arg15 : memref<!tpu.dma_semaphore, #tpu.memory_space<semaphore_mem>>)
      } else {
      }
    }
    %scan3A_109 = arith.constant 31 : i32
    %dma_wait3A_110 = arith.constant 0 : i32
    %dma_wait3A_111 = arith.constant 0 : i32
    %dma_wait3A_112 = arith.constant 0 : i32
    %dma_wait3A_113 = arith.constant 0 : i32
    %dma_wait3A_114 = tpu.memref_slice %arg9[%dma_wait3A_111, %dma_wait3A_112, %dma_wait3A_113] : memref<4x80x128xf32, #tpu.memory_space<vmem>> -> memref<1x80x128xf32, #tpu.memory_space<vmem>>
    %dma_wait3A_115 = tpu.memref_squeeze %dma_wait3A_114 : memref<1x80x128xf32, #tpu.memory_space<vmem>> -> memref<80x128xf32, #tpu.memory_space<vmem>>
    %dma_wait3A_116 = arith.constant 0 : i32
    %dma_wait3A_117 = tpu.memref_slice %arg7[%dma_wait3A_110, %dma_wait3A_116] : memref<4x80xi32, #tpu.memory_space<vmem>> -> memref<1x80xi32, #tpu.memory_space<vmem>>
    %dma_wait3A_118 = tpu.memref_squeeze %dma_wait3A_117 : memref<1x80xi32, #tpu.memory_space<vmem>> -> memref<80xi32, #tpu.memory_space<vmem>>
    %dma_wait3A_119 = arith.constant 0 : i32
    %dma_wait3A_120 = arith.constant 0 : i32
    %dma_wait3A_121 = tpu.memref_slice %arg4[%dma_wait3A_119, %dma_wait3A_120] : memref<10000x128xf32, #tpu.memory_space<hbm>> -> memref<10000x128xf32, #tpu.memory_space<hbm>>
    tpu.wait_indirect_dma semaphore(%arg15 : memref<!tpu.dma_semaphore, #tpu.memory_space<semaphore_mem>>) src(%dma_wait3A_121 : memref<10000x128xf32, #tpu.memory_space<hbm>>) dst(%dma_wait3A_115 : memref<80x128xf32, #tpu.memory_space<vmem>>)
    %dma_start3A_122 = arith.constant 0 : i32
    %dma_start3A_123 = arith.constant 0 : i32
    %dma_start3A_124 = arith.constant 0 : i32
    %dma_start3A_125 = arith.constant 0 : i32
    %dma_start3A_126 = tpu.memref_slice %arg9[%dma_start3A_122, %dma_start3A_124, %dma_start3A_125] : memref<4x80x128xf32, #tpu.memory_space<vmem>> -> memref<1x80x128xf32, #tpu.memory_space<vmem>>
    %dma_start3A_127 = tpu.memref_squeeze %dma_start3A_126 : memref<1x80x128xf32, #tpu.memory_space<vmem>> -> memref<80x128xf32, #tpu.memory_space<vmem>>
    %dma_start3A_128 = arith.constant 0 : i32
    %dma_start3A_129 = tpu.memref_slice %arg8[%dma_start3A_123, %dma_start3A_128] : memref<4x80xi32, #tpu.memory_space<vmem>> -> memref<1x80xi32, #tpu.memory_space<vmem>>
    %dma_start3A_130 = tpu.memref_squeeze %dma_start3A_129 : memref<1x80xi32, #tpu.memory_space<vmem>> -> memref<80xi32, #tpu.memory_space<vmem>>
    %dma_start3A_131 = arith.constant 0 : i32
    %dma_start3A_132 = arith.constant 0 : i32
    %dma_start3A_133 = tpu.memref_slice %arg10[%dma_start3A_131, %dma_start3A_132] : memref<10000x128xf32, #tpu.memory_space<vmem_shared>> -> memref<10000x128xf32, #tpu.memory_space<vmem_shared>>
    tpu.enqueue_indirect_dma source(%dma_start3A_127 : memref<80x128xf32, #tpu.memory_space<vmem>>) target(%dma_start3A_133 : memref<10000x128xf32, #tpu.memory_space<vmem_shared>>) offsets(%dma_start3A_130 : memref<80xi32, #tpu.memory_space<vmem>>) semaphore(%arg19 : memref<!tpu.dma_semaphore, #tpu.memory_space<semaphore_mem>>) {add = true}
    %dma_wait3A_134 = arith.constant 2 : i32
    %dma_wait3A_135 = arith.constant 0 : i32
    %dma_wait3A_136 = arith.constant 0 : i32
    %dma_wait3A_137 = arith.constant 0 : i32
    %dma_wait3A_138 = tpu.memref_slice %arg9[%dma_wait3A_134, %dma_wait3A_136, %dma_wait3A_137] : memref<4x80x128xf32, #tpu.memory_space<vmem>> -> memref<1x80x128xf32, #tpu.memory_space<vmem>>
    %dma_wait3A_139 = tpu.memref_squeeze %dma_wait3A_138 : memref<1x80x128xf32, #tpu.memory_space<vmem>> -> memref<80x128xf32, #tpu.memory_space<vmem>>
    %dma_wait3A_140 = arith.constant 0 : i32
    %dma_wait3A_141 = tpu.memref_slice %arg8[%dma_wait3A_135, %dma_wait3A_140] : memref<4x80xi32, #tpu.memory_space<vmem>> -> memref<1x80xi32, #tpu.memory_space<vmem>>
    %dma_wait3A_142 = tpu.memref_squeeze %dma_wait3A_141 : memref<1x80xi32, #tpu.memory_space<vmem>> -> memref<80xi32, #tpu.memory_space<vmem>>
    %dma_wait3A_143 = arith.constant 0 : i32
    %dma_wait3A_144 = arith.constant 0 : i32
    %dma_wait3A_145 = tpu.memref_slice %arg10[%dma_wait3A_143, %dma_wait3A_144] : memref<10000x128xf32, #tpu.memory_space<vmem_shared>> -> memref<10000x128xf32, #tpu.memory_space<vmem_shared>>
    tpu.wait_indirect_dma semaphore(%arg21 : memref<!tpu.dma_semaphore, #tpu.memory_space<semaphore_mem>>) src(%dma_wait3A_139 : memref<80x128xf32, #tpu.memory_space<vmem>>) dst(%dma_wait3A_145 : memref<10000x128xf32, #tpu.memory_space<vmem_shared>>)
    %dma_wait3A_146 = arith.constant 3 : i32
    %dma_wait3A_147 = arith.constant 0 : i32
    %dma_wait3A_148 = arith.constant 0 : i32
    %dma_wait3A_149 = arith.constant 0 : i32
    %dma_wait3A_150 = tpu.memref_slice %arg9[%dma_wait3A_146, %dma_wait3A_148, %dma_wait3A_149] : memref<4x80x128xf32, #tpu.memory_space<vmem>> -> memref<1x80x128xf32, #tpu.memory_space<vmem>>
    %dma_wait3A_151 = tpu.memref_squeeze %dma_wait3A_150 : memref<1x80x128xf32, #tpu.memory_space<vmem>> -> memref<80x128xf32, #tpu.memory_space<vmem>>
    %dma_wait3A_152 = arith.constant 0 : i32
    %dma_wait3A_153 = tpu.memref_slice %arg8[%dma_wait3A_147, %dma_wait3A_152] : memref<4x80xi32, #tpu.memory_space<vmem>> -> memref<1x80xi32, #tpu.memory_space<vmem>>
    %dma_wait3A_154 = tpu.memref_squeeze %dma_wait3A_153 : memref<1x80xi32, #tpu.memory_space<vmem>> -> memref<80xi32, #tpu.memory_space<vmem>>
    %dma_wait3A_155 = arith.constant 0 : i32
    %dma_wait3A_156 = arith.constant 0 : i32
    %dma_wait3A_157 = tpu.memref_slice %arg10[%dma_wait3A_155, %dma_wait3A_156] : memref<10000x128xf32, #tpu.memory_space<vmem_shared>> -> memref<10000x128xf32, #tpu.memory_space<vmem_shared>>
    tpu.wait_indirect_dma semaphore(%arg22 : memref<!tpu.dma_semaphore, #tpu.memory_space<semaphore_mem>>) src(%dma_wait3A_151 : memref<80x128xf32, #tpu.memory_space<vmem>>) dst(%dma_wait3A_157 : memref<10000x128xf32, #tpu.memory_space<vmem_shared>>)
    %dma_wait3A_158 = arith.constant 0 : i32
    %dma_wait3A_159 = arith.constant 0 : i32
    %dma_wait3A_160 = arith.constant 0 : i32
    %dma_wait3A_161 = arith.constant 0 : i32
    %dma_wait3A_162 = tpu.memref_slice %arg9[%dma_wait3A_158, %dma_wait3A_160, %dma_wait3A_161] : memref<4x80x128xf32, #tpu.memory_space<vmem>> -> memref<1x80x128xf32, #tpu.memory_space<vmem>>
    %dma_wait3A_163 = tpu.memref_squeeze %dma_wait3A_162 : memref<1x80x128xf32, #tpu.memory_space<vmem>> -> memref<80x128xf32, #tpu.memory_space<vmem>>
    %dma_wait3A_164 = arith.constant 0 : i32
    %dma_wait3A_165 = tpu.memref_slice %arg8[%dma_wait3A_159, %dma_wait3A_164] : memref<4x80xi32, #tpu.memory_space<vmem>> -> memref<1x80xi32, #tpu.memory_space<vmem>>
    %dma_wait3A_166 = tpu.memref_squeeze %dma_wait3A_165 : memref<1x80xi32, #tpu.memory_space<vmem>> -> memref<80xi32, #tpu.memory_space<vmem>>
    %dma_wait3A_167 = arith.constant 0 : i32
    %dma_wait3A_168 = arith.constant 0 : i32
    %dma_wait3A_169 = tpu.memref_slice %arg10[%dma_wait3A_167, %dma_wait3A_168] : memref<10000x128xf32, #tpu.memory_space<vmem_shared>> -> memref<10000x128xf32, #tpu.memory_space<vmem_shared>>
    tpu.wait_indirect_dma semaphore(%arg19 : memref<!tpu.dma_semaphore, #tpu.memory_space<semaphore_mem>>) src(%dma_wait3A_163 : memref<80x128xf32, #tpu.memory_space<vmem>>) dst(%dma_wait3A_169 : memref<10000x128xf32, #tpu.memory_space<vmem_shared>>)
    %barrier3A_170 = arith.constant 0 : index
    tpu.barrier barrier_id(%barrier3A_170)
    "tpu.region"() ({
      %run_scoped3A = tpu.sem_alloc : memref<!tpu.dma_semaphore, #tpu.memory_space<semaphore_mem>>
      %dma_start3A_176 = arith.constant 0 : i32
      %dma_start3A_177 = arith.constant 0 : i32
      %dma_start3A_178 = tpu.memref_slice %arg6[%arg0, %dma_start3A_176, %dma_start3A_177] : memref<2x10000x128xf32, #tpu.memory_space<hbm>> -> memref<1x10000x128xf32, #tpu.memory_space<hbm>>
      %dma_start3A_179 = tpu.memref_squeeze %dma_start3A_178 : memref<1x10000x128xf32, #tpu.memory_space<hbm>> -> memref<10000x128xf32, #tpu.memory_space<hbm>>
      %dma_start3A_180 = arith.constant 0 : i32
      %dma_start3A_181 = tpu.memref_slice %dma_start3A_179[%multiple_of3A, %dma_start3A_180] : memref<10000x128xf32, #tpu.memory_space<hbm>> -> memref<624x128xf32, #tpu.memory_space<hbm>>
      %dma_start3A_182 = arith.constant 0 : i32
      %dma_start3A_183 = tpu.memref_slice %arg10[%multiple_of3A, %dma_start3A_182] : memref<10000x128xf32, #tpu.memory_space<vmem_shared>> -> memref<624x128xf32, #tpu.memory_space<vmem_shared>>
      tpu.enqueue_dma source(%dma_start3A_183 : memref<624x128xf32, #tpu.memory_space<vmem_shared>>) target(%dma_start3A_181 : memref<624x128xf32, #tpu.memory_space<hbm>>) target_semaphore(%run_scoped3A : memref<!tpu.dma_semaphore, #tpu.memory_space<semaphore_mem>>)
      %dma_wait3A_184 = arith.constant 0 : i32
      %dma_wait3A_185 = arith.constant 0 : i32
      %dma_wait3A_186 = tpu.memref_slice %arg6[%arg0, %dma_wait3A_184, %dma_wait3A_185] : memref<2x10000x128xf32, #tpu.memory_space<hbm>> -> memref<1x10000x128xf32, #tpu.memory_space<hbm>>
      %dma_wait3A_187 = tpu.memref_squeeze %dma_wait3A_186 : memref<1x10000x128xf32, #tpu.memory_space<hbm>> -> memref<10000x128xf32, #tpu.memory_space<hbm>>
      %dma_wait3A_188 = arith.constant 0 : i32
      %dma_wait3A_189 = tpu.memref_slice %dma_wait3A_187[%multiple_of3A, %dma_wait3A_188] : memref<10000x128xf32, #tpu.memory_space<hbm>> -> memref<624x128xf32, #tpu.memory_space<hbm>>
      %dma_wait3A_190 = arith.constant 0 : i32
      %dma_wait3A_191 = tpu.memref_slice %arg10[%multiple_of3A, %dma_wait3A_190] : memref<10000x128xf32, #tpu.memory_space<vmem_shared>> -> memref<624x128xf32, #tpu.memory_space<vmem_shared>>
      tpu.wait_dma2 semaphore(%run_scoped3A : memref<!tpu.dma_semaphore, #tpu.memory_space<semaphore_mem>>) src(%dma_wait3A_191 : memref<624x128xf32, #tpu.memory_space<vmem_shared>>) dst(%dma_wait3A_189 : memref<624x128xf32, #tpu.memory_space<hbm>>)
      tpu.yield
    }) : () -> ()
    %eq3A_171 = arith.constant 15 : i32
    %eq3A_172 = arith.cmpi eq, %arg1, %eq3A_171 : i32
    %convert_element_type3A_173 = arith.extui %eq3A_172 : i1 to i32
    %cond3A_174 = arith.constant 0 : i32
    %cond3A_175 = arith.cmpi ne, %convert_element_type3A_173, %cond3A_174 : i32
    scf.if %cond3A_175 {
      "tpu.region"() ({
        %run_scoped3A = tpu.sem_alloc : memref<!tpu.dma_semaphore, #tpu.memory_space<semaphore_mem>>
        %dma_start3A_176 = arith.constant 0 : i32
        %dma_start3A_177 = arith.constant 0 : i32
        %dma_start3A_178 = tpu.memref_slice %arg6[%arg0, %dma_start3A_176, %dma_start3A_177] : memref<2x10000x128xf32, #tpu.memory_space<hbm>> -> memref<1x10000x128xf32, #tpu.memory_space<hbm>>
        %dma_start3A_179 = tpu.memref_squeeze %dma_start3A_178 : memref<1x10000x128xf32, #tpu.memory_space<hbm>> -> memref<10000x128xf32, #tpu.memory_space<hbm>>
        %dma_start3A_180 = arith.constant 9984 : i32
        %dma_start3A_181 = arith.constant 0 : i32
        %dma_start3A_182 = tpu.memref_slice %dma_start3A_179[%dma_start3A_180, %dma_start3A_181] : memref<10000x128xf32, #tpu.memory_space<hbm>> -> memref<16x128xf32, #tpu.memory_space<hbm>>
        %dma_start3A_183 = arith.constant 9984 : i32
        %dma_start3A_184 = arith.constant 0 : i32
        %dma_start3A_185 = tpu.memref_slice %arg10[%dma_start3A_183, %dma_start3A_184] : memref<10000x128xf32, #tpu.memory_space<vmem_shared>> -> memref<16x128xf32, #tpu.memory_space<vmem_shared>>
        tpu.enqueue_dma source(%dma_start3A_185 : memref<16x128xf32, #tpu.memory_space<vmem_shared>>) target(%dma_start3A_182 : memref<16x128xf32, #tpu.memory_space<hbm>>) target_semaphore(%run_scoped3A : memref<!tpu.dma_semaphore, #tpu.memory_space<semaphore_mem>>)
        %dma_wait3A_186 = arith.constant 0 : i32
        %dma_wait3A_187 = arith.constant 0 : i32
        %dma_wait3A_188 = tpu.memref_slice %arg6[%arg0, %dma_wait3A_186, %dma_wait3A_187] : memref<2x10000x128xf32, #tpu.memory_space<hbm>> -> memref<1x10000x128xf32, #tpu.memory_space<hbm>>
        %dma_wait3A_189 = tpu.memref_squeeze %dma_wait3A_188 : memref<1x10000x128xf32, #tpu.memory_space<hbm>> -> memref<10000x128xf32, #tpu.memory_space<hbm>>
        %dma_wait3A_190 = arith.constant 9984 : i32
        %dma_wait3A_191 = arith.constant 0 : i32
        %dma_wait3A_192 = tpu.memref_slice %dma_wait3A_189[%dma_wait3A_190, %dma_wait3A_191] : memref<10000x128xf32, #tpu.memory_space<hbm>> -> memref<16x128xf32, #tpu.memory_space<hbm>>
        %dma_wait3A_193 = arith.constant 9984 : i32
        %dma_wait3A_194 = arith.constant 0 : i32
        %dma_wait3A_195 = tpu.memref_slice %arg10[%dma_wait3A_193, %dma_wait3A_194] : memref<10000x128xf32, #tpu.memory_space<vmem_shared>> -> memref<16x128xf32, #tpu.memory_space<vmem_shared>>
        tpu.wait_dma2 semaphore(%run_scoped3A : memref<!tpu.dma_semaphore, #tpu.memory_space<semaphore_mem>>) src(%dma_wait3A_195 : memref<16x128xf32, #tpu.memory_space<vmem_shared>>) dst(%dma_wait3A_192 : memref<16x128xf32, #tpu.memory_space<hbm>>)
        tpu.yield
      }) : () -> ()
    } else {
    }
    return
  }
}

module attributes {stable_mosaic.version = 14 : i64} {
  func.func @body(%arg0: i32, %arg1: memref<32x1x128xf32, #tpu.memory_space<vmem>>, %arg2: memref<128x128xf32, #tpu.memory_space<vmem>>, %arg3: memref<128x1xf32, #tpu.memory_space<vmem>>, %arg4: memref<128x128xf32, #tpu.memory_space<vmem>>) attributes {dimension_semantics = [#tpu.dimension_semantics<arbitrary>], iteration_bounds = array<i64: 79>, scalar_prefetch = 0 : i64, scratch_operands = 0 : i64, tpu.core_type = #tpu.core_type<tc>, window_params = [{transform_indices = @transform_0, window_bounds = array<i64: 32, 1, 128>}, {transform_indices = @transform_1, window_bounds = array<i64: 128, 128>}, {transform_indices = @transform_2, window_bounds = array<i64: 128, 1>}, {transform_indices = @transform_3, window_bounds = array<i64: 128, 128>}]} {
    %get3A = arith.constant 0 : index
    %get3A_0 = arith.constant 0 : index
    %get3A_1 = arith.constant 0 : index
    %get3A_2 = vector.load %arg1[%get3A, %get3A_0, %get3A_1] : memref<32x1x128xf32, #tpu.memory_space<vmem>>, vector<32x1x128xf32>
    %reduce_sum3A = arith.constant dense<0.000000e+00> : vector<1x128xf32>
    %reduce_sum3A_3 = vector.multi_reduction <add>, %get3A_2, %reduce_sum3A [0] : vector<32x1x128xf32> to vector<1x128xf32>
    %add3A = arith.constant 1.000000e+00 : f32
    %add3A_4 = vector.broadcast %add3A : f32 to vector<1x128xf32>
    %add3A_5 = arith.addf %reduce_sum3A_3, %add3A_4 : vector<1x128xf32>
    %rsqrt3A = math.rsqrt %add3A_5 : vector<1x128xf32>
    %iota3A = tpu.iota {dimensions = array<i32: 0>} : vector<128x128xi32>
    %iota3A_6 = tpu.iota {dimensions = array<i32: 1>} : vector<128x128xi32>
    %eq3A = arith.cmpi eq, %iota3A, %iota3A_6 : vector<128x128xi32>
    %convert_element_type3A = arith.extui %eq3A : vector<128x128xi1> to vector<128x128xi32>
    %convert_element_type3A_7 = arith.sitofp %convert_element_type3A : vector<128x128xi32> to vector<128x128xf32>
    %dot_general3A = arith.constant dense<0.000000e+00> : vector<128x1xf32>
    %dot_general3A_8 = tpu.matmul %convert_element_type3A_7, %rsqrt3A, %dot_general3A {dimension_numbers = #tpu.dot_dimension_numbers<[1], [1], [0], [0], [0, 0, 1, 0], [], []>, transpose_lhs_hint = false} : vector<128x128xf32>, vector<1x128xf32>, vector<128x1xf32> -> vector<128x1xf32>
    %swap3A = arith.constant 0 : index
    %swap3A_9 = arith.constant 0 : index
    %swap3A_10 = vector.load %arg3[%swap3A, %swap3A_9] : memref<128x1xf32, #tpu.memory_space<vmem>>, vector<128x1xf32>
    tpu.vector_store %arg3[%swap3A, %swap3A_9], %dot_general3A_8 {strides = array<i32>} : memref<128x1xf32, #tpu.memory_space<vmem>>, vector<128x1xf32>,
    %get3A_11 = arith.constant 0 : index
    %get3A_12 = arith.constant 0 : index
    %get3A_13 = vector.load %arg2[%get3A_11, %get3A_12] : memref<128x128xf32, #tpu.memory_space<vmem>>, vector<128x128xf32>
    %mul3A = vector.broadcast %dot_general3A_8 : vector<128x1xf32> to vector<128x128xf32>
    %mul3A_14 = arith.mulf %get3A_13, %mul3A : vector<128x128xf32>
    %swap3A_15 = arith.constant 0 : index
    %swap3A_16 = arith.constant 0 : index
    %swap3A_17 = vector.load %arg4[%swap3A_15, %swap3A_16] : memref<128x128xf32, #tpu.memory_space<vmem>>, vector<128x128xf32>
    tpu.vector_store %arg4[%swap3A_15, %swap3A_16], %mul3A_14 {strides = array<i32>} : memref<128x128xf32, #tpu.memory_space<vmem>>, vector<128x128xf32>,
    return
  }
  func.func @transform_0(%arg0: i32) -> (i32, i32, i32) {
    %c0_i32 = arith.constant 0 : i32
    %c0_i32_0 = arith.constant 0 : i32
    %c0_i32_1 = arith.constant 0 : i32
    return %c0_i32, %c0_i32_0, %arg0 : i32, i32, i32
  }
  func.func @transform_1(%arg0: i32) -> (i32, i32) {
    %c0_i32 = arith.constant 0 : i32
    %c0_i32_0 = arith.constant 0 : i32
    return %arg0, %c0_i32 : i32, i32
  }
  func.func @transform_2(%arg0: i32) -> (i32, i32) {
    %c0_i32 = arith.constant 0 : i32
    %c0_i32_0 = arith.constant 0 : i32
    return %arg0, %c0_i32 : i32, i32
  }
  func.func @transform_3(%arg0: i32) -> (i32, i32) {
    %c0_i32 = arith.constant 0 : i32
    %c0_i32_0 = arith.constant 0 : i32
    return %arg0, %c0_i32 : i32, i32
  }
}

module attributes {stable_mosaic.version = 14 : i64} {
  func.func @body(%arg0: i32, %arg1: memref<2x1000x128xf32, #tpu.memory_space<vmem>>, %arg2: memref<1000x128xf32, #tpu.memory_space<vmem>>, %arg3: memref<1000x1xf32, #tpu.memory_space<vmem>>, %arg4: memref<1000x128xf32, #tpu.memory_space<vmem>>, %arg5: memref<128x128xf32, #tpu.memory_space<vmem>>, %arg6: memref<1x128xf32, #tpu.memory_space<vmem>>, %arg7: memref<128x128xf32, #tpu.memory_space<vmem>>, %arg8: memref<1x128xf32, #tpu.memory_space<vmem>>, %arg9: memref<128x128xf32, #tpu.memory_space<vmem>>, %arg10: memref<1x128xf32, #tpu.memory_space<vmem>>, %arg11: memref<256x128xf32, #tpu.memory_space<vmem>>, %arg12: memref<1x128xf32, #tpu.memory_space<vmem>>, %arg13: memref<256x128xf32, #tpu.memory_space<vmem>>, %arg14: memref<1x128xf32, #tpu.memory_space<vmem>>, %arg15: memref<256x128xf32, #tpu.memory_space<vmem>>, %arg16: memref<1x128xf32, #tpu.memory_space<vmem>>, %arg17: memref<128x1xf32, #tpu.memory_space<vmem>>, %arg18: memref<1x1xf32, #tpu.memory_space<vmem>>, %arg19: memref<1000x1xf32, #tpu.memory_space<vmem>>, %arg20: memref<1000x128xf32, #tpu.memory_space<vmem>>) attributes {dimension_semantics = [#tpu.dimension_semantics<arbitrary>], iteration_bounds = array<i64: 10>, scalar_prefetch = 0 : i64, scratch_operands = 0 : i64, tpu.core_type = #tpu.core_type<tc>, window_params = [{transform_indices = @transform_0, window_bounds = array<i64: 2, 1000, 128>}, {transform_indices = @transform_1, window_bounds = array<i64: 1000, 128>}, {transform_indices = @transform_2, window_bounds = array<i64: 1000, 1>}, {transform_indices = @transform_3, window_bounds = array<i64: 1000, 128>}, {pipeline_mode = #tpu.pipeline_mode<synchronous>, transform_indices = @transform_4, window_bounds = array<i64: 128, 128>}, {pipeline_mode = #tpu.pipeline_mode<synchronous>, transform_indices = @transform_5, window_bounds = array<i64: 1, 128>}, {pipeline_mode = #tpu.pipeline_mode<synchronous>, transform_indices = @transform_6, window_bounds = array<i64: 128, 128>}, {pipeline_mode = #tpu.pipeline_mode<synchronous>, transform_indices = @transform_7, window_bounds = array<i64: 1, 128>}, {pipeline_mode = #tpu.pipeline_mode<synchronous>, transform_indices = @transform_8, window_bounds = array<i64: 128, 128>}, {pipeline_mode = #tpu.pipeline_mode<synchronous>, transform_indices = @transform_9, window_bounds = array<i64: 1, 128>}, {pipeline_mode = #tpu.pipeline_mode<synchronous>, transform_indices = @transform_10, window_bounds = array<i64: 256, 128>}, {pipeline_mode = #tpu.pipeline_mode<synchronous>, transform_indices = @transform_11, window_bounds = array<i64: 1, 128>}, {pipeline_mode = #tpu.pipeline_mode<synchronous>, transform_indices = @transform_12, window_bounds = array<i64: 256, 128>}, {pipeline_mode = #tpu.pipeline_mode<synchronous>, transform_indices = @transform_13, window_bounds = array<i64: 1, 128>}, {pipeline_mode = #tpu.pipeline_mode<synchronous>, transform_indices = @transform_14, window_bounds = array<i64: 256, 128>}, {pipeline_mode = #tpu.pipeline_mode<synchronous>, transform_indices = @transform_15, window_bounds = array<i64: 1, 128>}, {pipeline_mode = #tpu.pipeline_mode<synchronous>, transform_indices = @transform_16, window_bounds = array<i64: 128, 1>}, {pipeline_mode = #tpu.pipeline_mode<synchronous>, transform_indices = @transform_17, window_bounds = array<i64: 1, 1>}, {transform_indices = @transform_18, window_bounds = array<i64: 1000, 1>}, {transform_indices = @transform_19, window_bounds = array<i64: 1000, 128>}]} {
    %get3A = arith.constant 0 : index
    %get3A_0 = arith.constant 0 : index
    %get3A_1 = arith.constant 0 : index
    %get3A_2 = vector.load %arg1[%get3A, %get3A_0, %get3A_1] : memref<2x1000x128xf32, #tpu.memory_space<vmem>>, vector<1x1000x128xf32>
    %get3A_3 = vector.shape_cast %get3A_2 : vector<1x1000x128xf32> to vector<1000x128xf32>
    %get3A_4 = arith.constant 1 : index
    %get3A_5 = arith.constant 0 : index
    %get3A_6 = arith.constant 0 : index
    %get3A_7 = vector.load %arg1[%get3A_4, %get3A_5, %get3A_6] : memref<2x1000x128xf32, #tpu.memory_space<vmem>>, vector<1x1000x128xf32>
    %get3A_8 = vector.shape_cast %get3A_7 : vector<1x1000x128xf32> to vector<1000x128xf32>
    %add3A = arith.addf %get3A_3, %get3A_8 : vector<1000x128xf32>
    %get3A_9 = arith.constant 0 : index
    %get3A_10 = arith.constant 0 : index
    %get3A_11 = vector.load %arg2[%get3A_9, %get3A_10] : memref<1000x128xf32, #tpu.memory_space<vmem>>, vector<1000x128xf32>
    %add3A_12 = arith.addf %add3A, %get3A_11 : vector<1000x128xf32>
    %get3A_13 = arith.constant 0 : index
    %get3A_14 = arith.constant 0 : index
    %get3A_15 = vector.load %arg3[%get3A_13, %get3A_14] : memref<1000x1xf32, #tpu.memory_space<vmem>>, vector<1000x1xf32>
    %mul3A = vector.broadcast %get3A_15 : vector<1000x1xf32> to vector<1000x128xf32>
    %mul3A_16 = arith.mulf %mul3A, %add3A_12 : vector<1000x128xf32>
    %get3A_17 = arith.constant 0 : index
    %get3A_18 = arith.constant 0 : index
    %get3A_19 = vector.load %arg4[%get3A_17, %get3A_18] : memref<1000x128xf32, #tpu.memory_space<vmem>>, vector<1000x128xf32>
    %get3A_20 = arith.constant 0 : index
    %get3A_21 = arith.constant 0 : index
    %get3A_22 = vector.load %arg11[%get3A_20, %get3A_21] : memref<256x128xf32, #tpu.memory_space<vmem>>, vector<256x128xf32>
    %get3A_23 = arith.constant 0 : index
    %get3A_24 = arith.constant 0 : index
    %get3A_25 = vector.load %arg13[%get3A_23, %get3A_24] : memref<256x128xf32, #tpu.memory_space<vmem>>, vector<256x128xf32>
    %get3A_26 = arith.constant 0 : index
    %get3A_27 = arith.constant 0 : index
    %get3A_28 = vector.load %arg15[%get3A_26, %get3A_27] : memref<256x128xf32, #tpu.memory_space<vmem>>, vector<256x128xf32>
    %get3A_29 = arith.constant 0 : index
    %get3A_30 = arith.constant 0 : index
    %get3A_31 = vector.load %arg5[%get3A_29, %get3A_30] : memref<128x128xf32, #tpu.memory_space<vmem>>, vector<128x128xf32>
    %slice3A = vector.extract_strided_slice %get3A_22 {offsets = [0, 0], sizes = [128, 128], strides = [1, 1]} : vector<256x128xf32> to vector<128x128xf32>
    %dot_general3A = arith.constant dense<0.000000e+00> : vector<128x128xf32>
    %dot_general3A_32 = tpu.matmul %get3A_31, %slice3A, %dot_general3A {dimension_numbers = #tpu.dot_dimension_numbers<[1], [0], [0], [1], [0, 0, 1, 1], [], []>, transpose_lhs_hint = false} : vector<128x128xf32>, vector<128x128xf32>, vector<128x128xf32> -> vector<128x128xf32>
    %get3A_33 = arith.constant 0 : index
    %get3A_34 = arith.constant 0 : index
    %get3A_35 = vector.load %arg6[%get3A_33, %get3A_34] : memref<1x128xf32, #tpu.memory_space<vmem>>, vector<1x128xf32>
    %slice3A_36 = vector.extract_strided_slice %get3A_22 {offsets = [0, 0], sizes = [128, 128], strides = [1, 1]} : vector<256x128xf32> to vector<128x128xf32>
    %dot_general3A_37 = arith.constant dense<0.000000e+00> : vector<1x128xf32>
    %dot_general3A_38 = tpu.matmul %get3A_35, %slice3A_36, %dot_general3A_37 {dimension_numbers = #tpu.dot_dimension_numbers<[1], [0], [0], [1], [0, 0, 1, 1], [], []>, transpose_lhs_hint = false} : vector<1x128xf32>, vector<128x128xf32>, vector<1x128xf32> -> vector<1x128xf32>
    %get3A_39 = arith.constant 0 : index
    %get3A_40 = arith.constant 0 : index
    %get3A_41 = vector.load %arg12[%get3A_39, %get3A_40] : memref<1x128xf32, #tpu.memory_space<vmem>>, vector<1x128xf32>
    %add3A_42 = arith.addf %dot_general3A_38, %get3A_41 : vector<1x128xf32>
    %dot_general3A_43 = arith.constant dense<0.000000e+00> : vector<1000x128xf32>
    %dot_general3A_44 = tpu.matmul %mul3A_16, %dot_general3A_32, %dot_general3A_43 {dimension_numbers = #tpu.dot_dimension_numbers<[1], [0], [0], [1], [0, 0, 1, 1], [], []>, transpose_lhs_hint = false} : vector<1000x128xf32>, vector<128x128xf32>, vector<1000x128xf32> -> vector<1000x128xf32>
    %slice3A_45 = vector.extract_strided_slice %get3A_22 {offsets = [128, 0], sizes = [128, 128], strides = [1, 1]} : vector<256x128xf32> to vector<128x128xf32>
    %dot_general3A_46 = arith.constant dense<0.000000e+00> : vector<1000x128xf32>
    %dot_general3A_47 = tpu.matmul %get3A_19, %slice3A_45, %dot_general3A_46 {dimension_numbers = #tpu.dot_dimension_numbers<[1], [0], [0], [1], [0, 0, 1, 1], [], []>, transpose_lhs_hint = false} : vector<1000x128xf32>, vector<128x128xf32>, vector<1000x128xf32> -> vector<1000x128xf32>
    %add3A_48 = arith.addf %dot_general3A_44, %dot_general3A_47 : vector<1000x128xf32>
    %add3A_49 = vector.broadcast %add3A_42 : vector<1x128xf32> to vector<1000x128xf32>
    %add3A_50 = arith.addf %add3A_48, %add3A_49 : vector<1000x128xf32>
    %logistic3A = arith.negf %add3A_50 : vector<1000x128xf32>
    %logistic3A_51 = math.exp %logistic3A : vector<1000x128xf32>
    %logistic3A_52 = arith.constant 1.000000e+00 : f32
    %logistic3A_53 = vector.broadcast %logistic3A_52 : f32 to vector<1000x128xf32>
    %logistic3A_54 = arith.addf %logistic3A_53, %logistic3A_51 : vector<1000x128xf32>
    %logistic3A_55 = arith.divf %logistic3A_53, %logistic3A_54 : vector<1000x128xf32>
    %get3A_56 = arith.constant 0 : index
    %get3A_57 = arith.constant 0 : index
    %get3A_58 = vector.load %arg7[%get3A_56, %get3A_57] : memref<128x128xf32, #tpu.memory_space<vmem>>, vector<128x128xf32>
    %slice3A_59 = vector.extract_strided_slice %get3A_25 {offsets = [0, 0], sizes = [128, 128], strides = [1, 1]} : vector<256x128xf32> to vector<128x128xf32>
    %dot_general3A_60 = arith.constant dense<0.000000e+00> : vector<128x128xf32>
    %dot_general3A_61 = tpu.matmul %get3A_58, %slice3A_59, %dot_general3A_60 {dimension_numbers = #tpu.dot_dimension_numbers<[1], [0], [0], [1], [0, 0, 1, 1], [], []>, transpose_lhs_hint = false} : vector<128x128xf32>, vector<128x128xf32>, vector<128x128xf32> -> vector<128x128xf32>
    %get3A_62 = arith.constant 0 : index
    %get3A_63 = arith.constant 0 : index
    %get3A_64 = vector.load %arg8[%get3A_62, %get3A_63] : memref<1x128xf32, #tpu.memory_space<vmem>>, vector<1x128xf32>
    %slice3A_65 = vector.extract_strided_slice %get3A_25 {offsets = [0, 0], sizes = [128, 128], strides = [1, 1]} : vector<256x128xf32> to vector<128x128xf32>
    %dot_general3A_66 = arith.constant dense<0.000000e+00> : vector<1x128xf32>
    %dot_general3A_67 = tpu.matmul %get3A_64, %slice3A_65, %dot_general3A_66 {dimension_numbers = #tpu.dot_dimension_numbers<[1], [0], [0], [1], [0, 0, 1, 1], [], []>, transpose_lhs_hint = false} : vector<1x128xf32>, vector<128x128xf32>, vector<1x128xf32> -> vector<1x128xf32>
    %get3A_68 = arith.constant 0 : index
    %get3A_69 = arith.constant 0 : index
    %get3A_70 = vector.load %arg14[%get3A_68, %get3A_69] : memref<1x128xf32, #tpu.memory_space<vmem>>, vector<1x128xf32>
    %add3A_71 = arith.addf %dot_general3A_67, %get3A_70 : vector<1x128xf32>
    %dot_general3A_72 = arith.constant dense<0.000000e+00> : vector<1000x128xf32>
    %dot_general3A_73 = tpu.matmul %mul3A_16, %dot_general3A_61, %dot_general3A_72 {dimension_numbers = #tpu.dot_dimension_numbers<[1], [0], [0], [1], [0, 0, 1, 1], [], []>, transpose_lhs_hint = false} : vector<1000x128xf32>, vector<128x128xf32>, vector<1000x128xf32> -> vector<1000x128xf32>
    %slice3A_74 = vector.extract_strided_slice %get3A_25 {offsets = [128, 0], sizes = [128, 128], strides = [1, 1]} : vector<256x128xf32> to vector<128x128xf32>
    %dot_general3A_75 = arith.constant dense<0.000000e+00> : vector<1000x128xf32>
    %dot_general3A_76 = tpu.matmul %get3A_19, %slice3A_74, %dot_general3A_75 {dimension_numbers = #tpu.dot_dimension_numbers<[1], [0], [0], [1], [0, 0, 1, 1], [], []>, transpose_lhs_hint = false} : vector<1000x128xf32>, vector<128x128xf32>, vector<1000x128xf32> -> vector<1000x128xf32>
    %add3A_77 = arith.addf %dot_general3A_73, %dot_general3A_76 : vector<1000x128xf32>
    %add3A_78 = vector.broadcast %add3A_71 : vector<1x128xf32> to vector<1000x128xf32>
    %add3A_79 = arith.addf %add3A_77, %add3A_78 : vector<1000x128xf32>
    %logistic3A_80 = arith.negf %add3A_79 : vector<1000x128xf32>
    %logistic3A_81 = math.exp %logistic3A_80 : vector<1000x128xf32>
    %logistic3A_82 = arith.constant 1.000000e+00 : f32
    %logistic3A_83 = vector.broadcast %logistic3A_82 : f32 to vector<1000x128xf32>
    %logistic3A_84 = arith.addf %logistic3A_83, %logistic3A_81 : vector<1000x128xf32>
    %logistic3A_85 = arith.divf %logistic3A_83, %logistic3A_84 : vector<1000x128xf32>
    %mul3A_86 = arith.mulf %get3A_19, %logistic3A_85 : vector<1000x128xf32>
    %get3A_87 = arith.constant 0 : index
    %get3A_88 = arith.constant 0 : index
    %get3A_89 = vector.load %arg9[%get3A_87, %get3A_88] : memref<128x128xf32, #tpu.memory_space<vmem>>, vector<128x128xf32>
    %slice3A_90 = vector.extract_strided_slice %get3A_28 {offsets = [0, 0], sizes = [128, 128], strides = [1, 1]} : vector<256x128xf32> to vector<128x128xf32>
    %dot_general3A_91 = arith.constant dense<0.000000e+00> : vector<128x128xf32>
    %dot_general3A_92 = tpu.matmul %get3A_89, %slice3A_90, %dot_general3A_91 {dimension_numbers = #tpu.dot_dimension_numbers<[1], [0], [0], [1], [0, 0, 1, 1], [], []>, transpose_lhs_hint = false} : vector<128x128xf32>, vector<128x128xf32>, vector<128x128xf32> -> vector<128x128xf32>
    %get3A_93 = arith.constant 0 : index
    %get3A_94 = arith.constant 0 : index
    %get3A_95 = vector.load %arg10[%get3A_93, %get3A_94] : memref<1x128xf32, #tpu.memory_space<vmem>>, vector<1x128xf32>
    %slice3A_96 = vector.extract_strided_slice %get3A_28 {offsets = [0, 0], sizes = [128, 128], strides = [1, 1]} : vector<256x128xf32> to vector<128x128xf32>
    %dot_general3A_97 = arith.constant dense<0.000000e+00> : vector<1x128xf32>
    %dot_general3A_98 = tpu.matmul %get3A_95, %slice3A_96, %dot_general3A_97 {dimension_numbers = #tpu.dot_dimension_numbers<[1], [0], [0], [1], [0, 0, 1, 1], [], []>, transpose_lhs_hint = false} : vector<1x128xf32>, vector<128x128xf32>, vector<1x128xf32> -> vector<1x128xf32>
    %get3A_99 = arith.constant 0 : index
    %get3A_100 = arith.constant 0 : index
    %get3A_101 = vector.load %arg16[%get3A_99, %get3A_100] : memref<1x128xf32, #tpu.memory_space<vmem>>, vector<1x128xf32>
    %add3A_102 = arith.addf %dot_general3A_98, %get3A_101 : vector<1x128xf32>
    %dot_general3A_103 = arith.constant dense<0.000000e+00> : vector<1000x128xf32>
    %dot_general3A_104 = tpu.matmul %mul3A_16, %dot_general3A_92, %dot_general3A_103 {dimension_numbers = #tpu.dot_dimension_numbers<[1], [0], [0], [1], [0, 0, 1, 1], [], []>, transpose_lhs_hint = false} : vector<1000x128xf32>, vector<128x128xf32>, vector<1000x128xf32> -> vector<1000x128xf32>
    %slice3A_105 = vector.extract_strided_slice %get3A_28 {offsets = [128, 0], sizes = [128, 128], strides = [1, 1]} : vector<256x128xf32> to vector<128x128xf32>
    %dot_general3A_106 = arith.constant dense<0.000000e+00> : vector<1000x128xf32>
    %dot_general3A_107 = tpu.matmul %mul3A_86, %slice3A_105, %dot_general3A_106 {dimension_numbers = #tpu.dot_dimension_numbers<[1], [0], [0], [1], [0, 0, 1, 1], [], []>, transpose_lhs_hint = false} : vector<1000x128xf32>, vector<128x128xf32>, vector<1000x128xf32> -> vector<1000x128xf32>
    %add3A_108 = arith.addf %dot_general3A_104, %dot_general3A_107 : vector<1000x128xf32>
    %add3A_109 = vector.broadcast %add3A_102 : vector<1x128xf32> to vector<1000x128xf32>
    %add3A_110 = arith.addf %add3A_108, %add3A_109 : vector<1000x128xf32>
    %tanh3A = math.tanh %add3A_110 : vector<1000x128xf32>
    %mul3A_111 = arith.mulf %logistic3A_55, %get3A_19 : vector<1000x128xf32>
    %sub3A = arith.constant 1.000000e+00 : f32
    %sub3A_112 = vector.broadcast %sub3A : f32 to vector<1000x128xf32>
    %sub3A_113 = arith.subf %sub3A_112, %logistic3A_55 : vector<1000x128xf32>
    %mul3A_114 = arith.mulf %sub3A_113, %tanh3A : vector<1000x128xf32>
    %add3A_115 = arith.addf %mul3A_111, %mul3A_114 : vector<1000x128xf32>
    %swap3A = arith.constant 0 : index
    %swap3A_116 = arith.constant 0 : index
    %swap3A_117 = vector.load %arg20[%swap3A, %swap3A_116] : memref<1000x128xf32, #tpu.memory_space<vmem>>, vector<1000x128xf32>
    tpu.vector_store %arg20[%swap3A, %swap3A_116], %add3A_115 {strides = array<i32>} : memref<1000x128xf32, #tpu.memory_space<vmem>>, vector<1000x128xf32>,
    %get3A_118 = arith.constant 0 : index
    %get3A_119 = arith.constant 0 : index
    %get3A_120 = vector.load %arg17[%get3A_118, %get3A_119] : memref<128x1xf32, #tpu.memory_space<vmem>>, vector<128x1xf32>
    %dot_general3A_121 = arith.constant dense<0.000000e+00> : vector<1000x1xf32>
    %dot_general3A_122 = tpu.matmul %add3A_115, %get3A_120, %dot_general3A_121 {dimension_numbers = #tpu.dot_dimension_numbers<[1], [0], [0], [1], [0, 0, 1, 1], [], []>, transpose_lhs_hint = false} : vector<1000x128xf32>, vector<128x1xf32>, vector<1000x1xf32> -> vector<1000x1xf32>
    %get3A_123 = arith.constant 0 : index
    %get3A_124 = arith.constant 0 : index
    %get3A_125 = vector.load %arg18[%get3A_123, %get3A_124] : memref<1x1xf32, #tpu.memory_space<vmem>>, vector<1x1xf32>
    %add3A_126 = vector.broadcast %get3A_125 : vector<1x1xf32> to vector<1000x1xf32>
    %add3A_127 = arith.addf %dot_general3A_122, %add3A_126 : vector<1000x1xf32>
    %logistic3A_128 = arith.negf %add3A_127 : vector<1000x1xf32>
    %logistic3A_129 = math.exp %logistic3A_128 : vector<1000x1xf32>
    %logistic3A_130 = arith.constant 1.000000e+00 : f32
    %logistic3A_131 = vector.broadcast %logistic3A_130 : f32 to vector<1000x1xf32>
    %logistic3A_132 = arith.addf %logistic3A_131, %logistic3A_129 : vector<1000x1xf32>
    %logistic3A_133 = arith.divf %logistic3A_131, %logistic3A_132 : vector<1000x1xf32>
    %swap3A_134 = arith.constant 0 : index
    %swap3A_135 = arith.constant 0 : index
    %swap3A_136 = vector.load %arg19[%swap3A_134, %swap3A_135] : memref<1000x1xf32, #tpu.memory_space<vmem>>, vector<1000x1xf32>
    tpu.vector_store %arg19[%swap3A_134, %swap3A_135], %logistic3A_133 {strides = array<i32>} : memref<1000x1xf32, #tpu.memory_space<vmem>>, vector<1000x1xf32>,
    return
  }
  func.func @transform_0(%arg0: i32) -> (i32, i32, i32) {
    %c0_i32 = arith.constant 0 : i32
    %c0_i32_0 = arith.constant 0 : i32
    %c0_i32_1 = arith.constant 0 : i32
    return %c0_i32, %arg0, %c0_i32_0 : i32, i32, i32
  }
  func.func @transform_1(%arg0: i32) -> (i32, i32) {
    %c0_i32 = arith.constant 0 : i32
    %c0_i32_0 = arith.constant 0 : i32
    return %arg0, %c0_i32 : i32, i32
  }
  func.func @transform_2(%arg0: i32) -> (i32, i32) {
    %c0_i32 = arith.constant 0 : i32
    %c0_i32_0 = arith.constant 0 : i32
    return %arg0, %c0_i32 : i32, i32
  }
  func.func @transform_3(%arg0: i32) -> (i32, i32) {
    %c0_i32 = arith.constant 0 : i32
    %c0_i32_0 = arith.constant 0 : i32
    return %arg0, %c0_i32 : i32, i32
  }
  func.func @transform_4(%arg0: i32) -> (i32, i32) {
    %c0_i32 = arith.constant 0 : i32
    %c0_i32_0 = arith.constant 0 : i32
    %c0_i32_1 = arith.constant 0 : i32
    return %c0_i32, %c0_i32_0 : i32, i32
  }
  func.func @transform_5(%arg0: i32) -> (i32, i32) {
    %c0_i32 = arith.constant 0 : i32
    %c0_i32_0 = arith.constant 0 : i32
    %c0_i32_1 = arith.constant 0 : i32
    return %c0_i32, %c0_i32_0 : i32, i32
  }
  func.func @transform_6(%arg0: i32) -> (i32, i32) {
    %c0_i32 = arith.constant 0 : i32
    %c0_i32_0 = arith.constant 0 : i32
    %c0_i32_1 = arith.constant 0 : i32
    return %c0_i32, %c0_i32_0 : i32, i32
  }
  func.func @transform_7(%arg0: i32) -> (i32, i32) {
    %c0_i32 = arith.constant 0 : i32
    %c0_i32_0 = arith.constant 0 : i32
    %c0_i32_1 = arith.constant 0 : i32
    return %c0_i32, %c0_i32_0 : i32, i32
  }
  func.func @transform_8(%arg0: i32) -> (i32, i32) {
    %c0_i32 = arith.constant 0 : i32
    %c0_i32_0 = arith.constant 0 : i32
    %c0_i32_1 = arith.constant 0 : i32
    return %c0_i32, %c0_i32_0 : i32, i32
  }
  func.func @transform_9(%arg0: i32) -> (i32, i32) {
    %c0_i32 = arith.constant 0 : i32
    %c0_i32_0 = arith.constant 0 : i32
    %c0_i32_1 = arith.constant 0 : i32
    return %c0_i32, %c0_i32_0 : i32, i32
  }
  func.func @transform_10(%arg0: i32) -> (i32, i32) {
    %c0_i32 = arith.constant 0 : i32
    %c0_i32_0 = arith.constant 0 : i32
    %c0_i32_1 = arith.constant 0 : i32
    return %c0_i32, %c0_i32_0 : i32, i32
  }
  func.func @transform_11(%arg0: i32) -> (i32, i32) {
    %c0_i32 = arith.constant 0 : i32
    %c0_i32_0 = arith.constant 0 : i32
    %c0_i32_1 = arith.constant 0 : i32
    return %c0_i32, %c0_i32_0 : i32, i32
  }
  func.func @transform_12(%arg0: i32) -> (i32, i32) {
    %c0_i32 = arith.constant 0 : i32
    %c0_i32_0 = arith.constant 0 : i32
    %c0_i32_1 = arith.constant 0 : i32
    return %c0_i32, %c0_i32_0 : i32, i32
  }
  func.func @transform_13(%arg0: i32) -> (i32, i32) {
    %c0_i32 = arith.constant 0 : i32
    %c0_i32_0 = arith.constant 0 : i32
    %c0_i32_1 = arith.constant 0 : i32
    return %c0_i32, %c0_i32_0 : i32, i32
  }
  func.func @transform_14(%arg0: i32) -> (i32, i32) {
    %c0_i32 = arith.constant 0 : i32
    %c0_i32_0 = arith.constant 0 : i32
    %c0_i32_1 = arith.constant 0 : i32
    return %c0_i32, %c0_i32_0 : i32, i32
  }
  func.func @transform_15(%arg0: i32) -> (i32, i32) {
    %c0_i32 = arith.constant 0 : i32
    %c0_i32_0 = arith.constant 0 : i32
    %c0_i32_1 = arith.constant 0 : i32
    return %c0_i32, %c0_i32_0 : i32, i32
  }
  func.func @transform_16(%arg0: i32) -> (i32, i32) {
    %c0_i32 = arith.constant 0 : i32
    %c0_i32_0 = arith.constant 0 : i32
    %c0_i32_1 = arith.constant 0 : i32
    return %c0_i32, %c0_i32_0 : i32, i32
  }
  func.func @transform_17(%arg0: i32) -> (i32, i32) {
    %c0_i32 = arith.constant 0 : i32
    %c0_i32_0 = arith.constant 0 : i32
    %c0_i32_1 = arith.constant 0 : i32
    return %c0_i32, %c0_i32_0 : i32, i32
  }
  func.func @transform_18(%arg0: i32) -> (i32, i32) {
    %c0_i32 = arith.constant 0 : i32
    %c0_i32_0 = arith.constant 0 : i32
    return %arg0, %c0_i32 : i32, i32
  }
  func.func @transform_19(%arg0: i32) -> (i32, i32) {
    %c0_i32 = arith.constant 0 : i32
    %c0_i32_0 = arith.constant 0 : i32
    return %arg0, %c0_i32 : i32, i32
  }
}

</mosaic_0001>

<sc_bundles>
// kernel: kernel.6.cloned.1.call-start
scs
__scs_entry_jumppad:
0x0: {  	(pc) =	sbr.rel $0x88, $3  }
0x1: {  	(tag) =	ssettag $0x0;
	lr =	simm.s32 $0x1  }
0x2: {  	[smem:$0x3F90] =	sst lr;
	_ =	strace $0xD0000000  }
0x3: {  	_ = 	snop  }
0x4: {  	_ = 	snop  }
0x5: {  	_ = 	snop  }
0x6: {  	_ = 	snop  }
0x7: {  	_ = 	snop  }
__scs_overlays_trampoline_lowered:
0x8: {  	[smem:$0x3F9F] =	sst s0  }
0x9: {  	[smem:$0x3FA0] =	sst s1  }
0xa: {  	[smem:$0x3FA1] =	sst s2  }
0xb: {  	[smem:$0x3FA2] =	sst s3  }
0xc: {  	[smem:$0x3FA3] =	sst s4  }
0xd: {  	[smem:$0x3FA4] =	sst s5  }
0xe: {  	[smem:$0x3FA5] =	sst s6  }
0xf: {  	[smem:$0x3FA6] =	sst s7  }
0x10: {  	[smem:$0x3FA7] =	sst s8  }
0x11: {  	[smem:$0x3FA8] =	sst s9;
	s0 =	simm.s32 @!p0 $0x0  }
0x12: {  	s1 =	sld [smem:$0x3F8E];
	s0 =	simm.s32 @p0 $0x1  }
0x13: {  	[smem:$0x3FA9] =	sst s0;
	s0 =	simm.s32 @!p1 $0x0  }
0x14: {  	s2 =	sld [smem:$0x3F8D];
	s0 =	simm.s32 @p1 $0x1  }
0x15: {  	[smem:$0x3FAA] =	sst s0;
	s0 =	simm.s32 @!p2 $0x0  }
0x16: {  	s3 =	sld [smem:$0x3FDB];
	s0 =	simm.s32 @p2 $0x1  }
0x17: {  	s4 =	simm.s32 $0x1BF5;
	[smem:$0x3FAC] =	sst s0  }
0x18: {  	s0 =	sld [smem:$0x3F8F];
	_ =	swait.ge [sflag:s4], $0x0  }
0x19: {  	s7 =	sld [smem:$0x3F90]  }
0x1a: {  	s8 =	sadd.s32 $0xFFFFE003, lr  }
0x1b: {  	s9 =	sadd.s32 $0xFFFFFEF7, lr;
	s5 =	simm.s32 $0xFFFFFFFF;
	p2 =	slt.u32 s8, $0xFFFFF086  }
0x1c: {  	p1 =	slt.u32 s9, $0xF7A;
	s5 =	simm.s32 @!p2 $0x0  }
0x1d: {  	s5 =	simm.s32 @p1 $0x1;
	p0 =	seq.s32 s7, s2  }
0x1e: {  	s7 =	smul.u32 @!p0 $0xF7A, s2;
	p2 =	seq.s32 @!p0 s5, $0x0  }
0x1f: {  	s9 =	smul.u32 $0xF7A, s1;
	s8 =	simm.s32 @!p0 $0x1BF5;
	p2 =	por !p2, p0  }
0x20: {  	[sflag:s8] =	ssyncset.s32 @!p0 $0xFFFFF086;
	s6 =	sadd.s32 @!p0 s3, s7;
	s7 =	simm.s32 @!p0 $0x108  }
0x21: {  	s3 =	sadd.s32 s3, s9;
	s6 =	sadd.s32 @!p0 $0x88, s6;
	s7 =	simm.s32 @p2 $0x1082  }
0x22: {  	[simem:s7], [sflag:s8] =	dma.local @!p0 [hbm:s6], $0xF7A  }
0x23: {  	s9 =	sor.u32 $0xD0000000, s2;
	s6 =	simm.s32 $0x108;
	_ =	swait.ge @!p0 [sflag:s8], $0x0  }
0x24: {  	s3 =	sadd.s32 $0x88, s3;
	s6 =	simm.s32 @!p1 $0x1082;
	[sflag:s4] =	ssyncset.s32 $0xFFFFF086  }
0x25: {  	[simem:s6], [sflag:s4] =	dma.local [hbm:s3], $0xF7A  }
0x26: {  	[smem:$0x3F90] =	sst s1;
	(tag) =	ssettag s2;
	_ =	strace s9  }
0x27: {  	s1 =	sld [smem:$0x3FA0]  }
0x28: {  	s2 =	sld [smem:$0x3FA1]  }
0x29: {  	s4 =	sld [smem:$0x3FA3]  }
0x2a: {  	p0 =	seq.s32 s5, $0x0;
	s5 =	sld [smem:$0x3FA4]  }
0x2b: {  	s6 =	sld [smem:$0x3FA5]  }
0x2c: {  	s7 =	sld [smem:$0x3FA6]  }
0x2d: {  	s3 =	simm.s32 $0x108;
	s8 =	sld [smem:$0x3FA7]  }
0x2e: {  	s3 =	simm.s32 @!p0 $0x1082;
	s9 =	sld [smem:$0x3FA8]  }
0x2f: {  	lr =	sadd.s32 s0, s3;
	s0 =	sld [smem:$0x3F9F]  }
0x30: {  	s3 =	sld [smem:$0x3FA2]  }
0x31: {  	[smem:$0x3FAB] =	sst s10  }
0x32: {  	s10 =	sld [smem:$0x3FA9];
	_ =	sdelay $0x3  }
0x33: {  	p0 =	seq.s32 s10, $0x1;
	s10 =	sld [smem:$0x3FAB];
	_ =	sdelay $0x3  }
0x34: {  	[smem:$0x3FAB] =	sst s10  }
0x35: {  	s10 =	sld [smem:$0x3FAA];
	_ =	sdelay $0x3  }
0x36: {  	p1 =	seq.s32 s10, $0x1;
	s10 =	sld [smem:$0x3FAB];
	_ =	sdelay $0x3  }
0x37: {  	[smem:$0x3FAB] =	sst s10  }
0x38: {  	s10 =	sld [smem:$0x3FAC]  }
0x39: {  	_ = 	snop;
	(pc) =	sbr.ind lr, $3  }
0x3a: {  	_ = 	snop  }
0x3b: {  	_ = 	snop  }
0x3c: {  	p2 =	seq.s32 s10, $0x1;
	s10 =	sld [smem:$0x3FAB]  }
0x3d: {  	_ =	shalt  }
0x3e: {  	_ =	shalt  }
0x3f: {  	_ =	shalt  }
0x40: {  	_ =	shalt  }
0x41: {  	_ =	shalt  }
0x42: {  	_ =	shalt  }
0x43: {  	_ =	shalt  }
0x44: {  	_ =	shalt  }
0x45: {  	_ =	shalt  }
0x46: {  	_ =	shalt  }
0x47: {  	_ =	shalt  }
0x48: {  	_ =	shalt  }
0x49: {  	_ =	shalt  }
0x4a: {  	_ =	shalt  }
0x4b: {  	_ =	shalt  }
0x4c: {  	_ =	shalt  }
0x4d: {  	_ =	shalt  }
0x4e: {  	_ =	shalt  }
0x4f: {  	_ =	shalt  }
0x50: {  	_ =	shalt  }
0x51: {  	_ =	shalt  }
0x52: {  	_ =	shalt  }
0x53: {  	_ =	shalt  }
0x54: {  	_ =	shalt  }
0x55: {  	_ =	shalt  }
0x56: {  	_ =	shalt  }
0x57: {  	_ =	shalt  }
0x58: {  	_ =	shalt  }
0x59: {  	_ =	shalt  }
0x5a: {  	_ =	shalt  }
0x5b: {  	_ =	shalt  }
0x5c: {  	_ =	shalt  }
0x5d: {  	_ =	shalt  }
0x5e: {  	_ =	shalt  }
0x5f: {  	_ =	shalt  }
0x60: {  	_ =	shalt  }
0x61: {  	_ =	shalt  }
0x62: {  	_ =	shalt  }
0x63: {  	_ =	shalt  }
0x64: {  	_ =	shalt  }
0x65: {  	_ =	shalt  }
0x66: {  	_ =	shalt  }
0x67: {  	_ =	shalt  }
0x68: {  	_ =	shalt  }
0x69: {  	_ =	shalt  }
0x6a: {  	_ =	shalt  }
0x6b: {  	_ =	shalt  }
0x6c: {  	_ =	shalt  }
0x6d: {  	_ =	shalt  }
0x6e: {  	_ =	shalt  }
0x6f: {  	_ =	shalt  }
0x70: {  	_ =	shalt  }
0x71: {  	_ =	shalt  }
0x72: {  	_ =	shalt  }
0x73: {  	_ =	shalt  }
0x74: {  	_ =	shalt  }
0x75: {  	_ =	shalt  }
0x76: {  	_ =	shalt  }
0x77: {  	_ =	shalt  }
0x78: {  	_ =	shalt  }
0x79: {  	_ =	shalt  }
0x7a: {  	_ =	shalt  }
0x7b: {  	_ =	shalt  }
0x7c: {  	_ =	shalt  }
0x7d: {  	_ =	shalt  }
0x7e: {  	_ =	shalt  }
0x7f: {  	_ =	shalt  }
0x80: {  	_ =	shalt  }
0x81: {  	_ =	shalt  }
0x82: {  	_ =	shalt  }
0x83: {  	_ =	shalt  }
0x84: {  	_ =	shalt  }
0x85: {  	_ =	shalt  }
0x86: {  	_ =	shalt  }
0x87: {  	_ =	shalt  }
.Lfunc_end0:
.L_simem_size_0:
called_computation_lowered:
.L_overlay_start_0:
0x88: {  	s2 =	sld [smem:$0x3FD9]  }
0x89: {  	s3 =	sld [smem:$0x3FFE];
	_ =	sdelay $0x1  }
0x8a: {  	s1 =	srdreg.scid  }
0x8b: {  	s0 =	sand.u32 $0x1, s1  }
0x8c: {  	s14 =	sshll.u32 s0, $0xA;
	s2 =	sadd.s32 s3, s2  }
0x8d: {  	s2 =	sadd.s32 s2, s14  }
0x8e: {  	[smem:$0x3FB7] =	sst s2  }
0x8f: {  	_ = 	snop  }
0x90: {  	s2 =	sld [smem:$0x3FD0];
	_ =	sdelay $0x2  }
0x91: {  	s15 =	simm.s32 $0xA;
	s4 =	simm.s32 $0x10  }
0x92: {  	[smem:s4], [sflag:s15] =	dma.local [hbm:s2], $0x1  }
0x93: {  	_ =	swait.eq [sflag:s15], $0x1  }
0x94: {  	[sflag:s15] =	ssyncset.done $0x0  }
0x95: {  	[sflag:s15] =	ssyncadd.s32 $0xFFFFFFFF  }
0x96: {  	s16 =	sld [smem:$0x11];
	(tm) =	ssettm $0x1  }
0x97: {  	s17 =	sld [smem:$0x3FFB];
	_ =	sdelay $0x3  }
0x98: {  	_ =	strace s17  }
0x99: {  	s3 =	sld [smem:$0x3FFC];
	_ =	sdelay $0x3  }
0x9a: {  	_ =	strace s3  }
0x9b: {  	s3 =	sld [smem:$0x3FFD];
	_ =	sdelay $0x3  }
0x9c: {  	_ =	strace s3  }
0x9d: {  	_ =	strace $0x8FFFFFFF  }
0x9e: {  	s18 =	sld [smem:$0x3FDB];
	_ =	sdelay $0x1  }
0x9f: {  	s19 =	simm.s32 $_scs_section_size  }
0xa0: {  	s5 =	simm.s32 $_size__tile_overlayer_lowered;
	s6 =	simm.s32 $_tile_overlayer_lowered  }
0xa1: {  	s22 =	simm.s32 $0x1BFF;
	s21 =	sshll.u32 s6, $0x1;
	s3 =	sadd.s32 s19, s18  }
0xa2: {  	s7 =	simm.s32 $0x0;
	s20 =	sshll.u32 s5, $0x1;
	s5 =	sadd.s32 s21, s3  }
0xa3: {  	[timem:s7], [sflag:s22] =	dma.local [hbm:s5], s20  }
0xa4: {  	_ =	swait.ge [sflag:s22], s20  }
0xa5: {  	s4 =	ssub.s32 $0x0, s20;
	[sflag:s22] =	ssyncset.done $0x0  }
0xa6: {  	[sflag:s22] =	ssyncadd.s32 s4;
	_ =	sdelay $0x1  }
0xa7: {  	s23 =	simm.s32 $0x1B8B  }
0xa8: {  	_ =	swait.ge [sflag:s23], $0x1  }
0xa9: {  	[sflag:s23] =	ssyncset.done $0x0  }
0xaa: {  	s25 =	simm.s32 $0x1B8E;
	s24 =	sld [smem:$0x3FFE];
	[sflag:s23] =	ssyncadd.s32 $0xFFFFFFFF  }
0xab: {  	s26 =	simm.s32 $execute0_lowered;
	[smem:$0x3FD2] =	sst s25  }
0xac: {  	s5 =	sshll.u32 s26, $0x1;
	_ =	strace $0x80000046;
	[dreg:$0x1] =	wrdreg $0xFFFFFFFF  }
0xad: {  	s28 =	simm.s32 $_size_execute0_lowered;
	s3 =	sadd.s32 s3, s5;
	[dreg:$0x0] =	wrdreg $0x0  }
0xae: {  	s5 =	sshll.u32 s28, $0x1;
	[dreg:$0x2] =	wrdreg s3  }
0xaf: {  	[dreg:$0x3] =	wrdreg s5  }
0xb0: {  	[dreg:$0x4] =	wrdreg $0xC0  }
0xb1: {  	_ =	task [dreg:s7], $0x5FFFF  }
0xb2: {  	[dreg:$0x1] =	wrdreg $0xFFFFFFFF  }
0xb3: {  	[dreg:$0x0] =	wrdreg $0x60  }
0xb4: {  	[dreg:$0x2] =	wrdreg s24  }
0xb5: {  	[dreg:$0x3] =	wrdreg s16  }
0xb6: {  	[dreg:$0x4] =	wrdreg $0x9  }
0xb7: {  	_ =	task.clear_ibuf [dreg:s7], $0x5FFFF;
	_ =	strace $0x90000046  }
0xb8: {  	s29 =	simm.s32 $0x9;
	_ =	strace $0x80000048  }
0xb9: {  	_ =	swait.ge [sflag:s29], $0x1  }
0xba: {  	[sflag:s29] =	ssyncadd.s32 $0xFFFFFFFF  }
0xbb: {  	_ =	strace $0x90000048  }
0xbc: {  	_ =	sfence  }
0xbd: {  	s30 =	sld [smem:$0x0];
	_ =	sdelay $0x2  }
0xbe: {  	s31 =	sshll.u32 s1, $0xD;
	s1 =	sshrl.u32 s1, $0x2  }
0xbf: {  	s3 =	sand.u32 $0x4000, s31;
	s1 =	sadd.s32 s1, s30  }
0xc0: {  	s0 =	sor.u32 s3, s0;
	s1 =	sshll.u32 s1, $0x11  }
0xc1: {  	s0 =	sor.u32 s1, s0  }
0xc2: {  	s0 =	sadd.s32 $0x8F2B, s0  }
0xc3: {  	[sflag:s0] =	ssyncadd.remote.s32 $0x1  }
0xc4: {  	_ =	sfence.sel $0xFFFF  }
0xc5: {  	[dreg:$0x0] =	wrdreg $0xFFFFFFFF;
	(pc) =	sbr.abs _section_cstart, $3  }
0xc6: {  	[dreg:$0x1] =	wrdreg $0xFFFFFFFF  }
0xc7: {  	_ =	task.clear_ibuf [dreg:s7], $0x2FFFF;
	_ =	strace $0x9FFFFFFF  }
0xc8: {  	(tm) =	ssettm $0x7FFFFFFF  }
0xc9: {  	_ =	shalt  }
tec
execute0_lowered:
.L_overlay_start_1:
0x0: {  	(tag) =	ssettag $0x1  }
0x1: {  	s0 =	srdreg.scid  }
0x2: {  	s3 =	rddreg [dreg:$0x0];
	s4 =	sand.u32 $0x1, s0  }
0x3: {  	s5 =	rddreg [dreg:$0x1];
	s1 =	stileid.u32;
	s2 =	sshll.u32 s4, $0x4  }
0x4: {  	s0 =	rddreg [dreg:$0x2];
	s6 =	sor.u32 s1, s2  }
0x5: {  	s4 =	ssub.s32 $0x2, s4;
	s2 =	simm.s32 $0x0;
	s7 =	smul.u32 $0x4E2, s6  }
0x6: {  	s8 =	sshrl.u32 s4, $0x1;
	[smem:$0x7FF] =	sst s2;
	s6 =	smul.u32 $0x4F0, s6  }
0x7: {  	s31 =	ssub.s32 s4, s8;
	s8 =	simm.s32 $0x0;
	_ =	strace $0x80000047  }
0x8: {  	s3 =	sadd.s32 s7, s3;
	s4 =	sadd.s32 s5, s6;
	s5 =	smax.u32 s31, $0x1  }
0x9: {  	v0 =	vimm.f32 $0.0e+00;
	v1 =	vimm.f32 $1.000000000e+00;
	s6 =	simm.s32 $0x1;
	s7 =	simm.s32 $0x2780;
	s3 =	sadd.s32 $0x3400, s3  }
.LBB2_1:
0xa: {  	s9 =	simm.s32 $0x40;
	s10 =	simm.s32 $0x0  }
.LBB2_2:
0xb: {  	p0 =	sne.s32 s9, $0x9C00;
	[tilespmem:s10+$0x2780] =	vst v0;
	s10 =	smov.u32 s9;
	s9 =	sadd.s32 $0x40, s9  }
.Ltmp0:
0xc: {  	(pc) =	sbr.rel @p0 .LBB2_2-.Ltmp0, $2  }
0xd: {  	_ =	sdelay $0x2  }
0xe: {  	s10 =	sshra.s32 s10, $0x2  }
0xf: {  	[tilespmem:s10+$0x2780] =	vst v0;
	s9 =	simm.s32 $0x0  }
0x10: {  	[tilespmem:s9], [sflag:$0x1] =	stream.linear.gather [hbm4b:s3+s9], $0x2710, $0x38;
	[tilespmem:$0x4F00] =	vst v63  }
0x11: {  	_ =	swait.ge [sflag:s6], $0x2710  }
0x12: {  	[sflag:s6] =	ssyncset.done $0x0  }
0x13: {  	s10 =	simm.s32 $0x0;
	s9 =	simm.s32 $0x40;
	[sflag:s6] =	ssyncadd.s32 $0xFFFFD8F0  }
.LBB2_4:
0x14: {  	p0 =	sne.s32 s9, $0x9C00;
	v2 =	vld [tilespmem:s10+$0x0];
	_ =	sdelay $0x3  }
.Ltmp1:
0x15: {  	(pc) =	sbr.rel @p0 .LBB2_4-.Ltmp1, $2  }
0x16: {  	_ =	sdelay $0x2  }
0x17: {  	s10 =	sshra.s32 s9, $0x2;
	s9 =	sadd.s32 $0x40, s9;
	[tilespmem:v2+s7+$0x0] =	vst.idx.add.f32.msk $0xffff, v1  }
0x18: {  	v2 =	vld [tilespmem:s10+$0x0];
	_ =	sdelay $0x5  }
0x19: {  	s8 =	sadd.s32 $0x1, s8  }
0x1a: {  	p0 =	sne.s32 s8, s5  }
.Ltmp2:
0x1b: {  	[tilespmem:v2+s7+$0x0] =	vst.idx.add.f32.msk $0xffff, v1;
	(pc) =	sbr.rel @p0 .LBB2_1-.Ltmp2, $4  }
0x1c: {  	[hbm4b:s4+s2] =	stream.linear.scatter [tilespmem:s7], [sflag:$0x1], $0x2780, $0x38;
	[tilespmem:$0x4F00] =	vst v63  }
0x1d: {  	_ =	swait.ge [sflag:s6], $0x2780  }
0x1e: {  	[sflag:s6] =	ssyncset.done $0x0  }
0x1f: {  	[sflag:s6] =	ssyncadd.s32 $0xFFFFD880  }
0x20: {  	_ =	sfence.sel $0x180000  }
0x21: {  	[bflag:$0x0] =	sbarrier.arrive $0xFFFF  }
0x22: {  	p0 =	sne.s32 s1, $0x0;
	_ =	strace $0x90000047  }
0x23: {  	s0 =	sadd.s32 @!p0 $0x100000, s0;
	[bflag:$0x2] =	sbarrier.arrive $0xFFFF  }
0x24: {  	[sflag:s0] =	ssyncadd.tile.s32 @!p0 $0x1;
	_ =	shalt  }
.Lfunc_end2:
_tile_overlayer_lowered:
.L_overlay_start_2:
0x25: {  	(tag) =	ssettag $0x2  }
0x26: {  	s0 =	rddreg [dreg:$0x0];
	s2 =	stileid.u32  }
0x27: {  	s1 =	rddreg [dreg:$0x1];
	p0 =	sne.s32 s2, $0x0  }
0x28: {  	s3 =	rddreg [dreg:$0x2];
	[bflag:$0x3] =	sbarrier.arrive $0xFFFF;
	s2 =	simm.s32 @!p0 $0x1C01  }
0x29: {  	[timem:s3], [sflag:s2] =	dma.local @!p0 [hbm:s0], s1  }
0x2a: {  	s0 =	simm.s32 @!p0 $0x1  }
0x2b: {  	_ =	swait.ge @!p0 [sflag:s0], s1  }
0x2c: {  	s1 =	ssub.s32 @!p0 $0x0, s1;
	[sflag:s0] =	ssyncset.done @!p0 $0x0  }
0x2d: {  	[sflag:s0] =	ssyncadd.s32 @!p0 s1  }
0x2e: {  	[bflag:$0x3] =	sbarrier.arrive $0xFFFF  }
0x2f: {  	_ =	shalt  }

// kernel: kernel.9.cloned.1.call-start
scs
__scs_entry_jumppad:
0x0: {  	(pc) =	sbr.rel $0x88, $3  }
0x1: {  	(tag) =	ssettag $0x0;
	lr =	simm.s32 $0x1  }
0x2: {  	[smem:$0x3F90] =	sst lr;
	_ =	strace $0xD0000000  }
0x3: {  	_ = 	snop  }
0x4: {  	_ = 	snop  }
0x5: {  	_ = 	snop  }
0x6: {  	_ = 	snop  }
0x7: {  	_ = 	snop  }
__scs_overlays_trampoline_lowered:
0x8: {  	[smem:$0x3F9F] =	sst s0  }
0x9: {  	[smem:$0x3FA0] =	sst s1  }
0xa: {  	[smem:$0x3FA1] =	sst s2  }
0xb: {  	[smem:$0x3FA2] =	sst s3  }
0xc: {  	[smem:$0x3FA3] =	sst s4  }
0xd: {  	[smem:$0x3FA4] =	sst s5  }
0xe: {  	[smem:$0x3FA5] =	sst s6  }
0xf: {  	[smem:$0x3FA6] =	sst s7  }
0x10: {  	[smem:$0x3FA7] =	sst s8  }
0x11: {  	[smem:$0x3FA8] =	sst s9;
	s0 =	simm.s32 @!p0 $0x0  }
0x12: {  	s1 =	sld [smem:$0x3F8E];
	s0 =	simm.s32 @p0 $0x1  }
0x13: {  	[smem:$0x3FA9] =	sst s0;
	s0 =	simm.s32 @!p1 $0x0  }
0x14: {  	s2 =	sld [smem:$0x3F8D];
	s0 =	simm.s32 @p1 $0x1  }
0x15: {  	[smem:$0x3FAA] =	sst s0;
	s0 =	simm.s32 @!p2 $0x0  }
0x16: {  	s3 =	sld [smem:$0x3FDB];
	s0 =	simm.s32 @p2 $0x1  }
0x17: {  	s4 =	simm.s32 $0x1BF5;
	[smem:$0x3FAC] =	sst s0  }
0x18: {  	s0 =	sld [smem:$0x3F8F];
	_ =	swait.ge [sflag:s4], $0x0  }
0x19: {  	s7 =	sld [smem:$0x3F90]  }
0x1a: {  	s8 =	sadd.s32 $0xFFFFE003, lr  }
0x1b: {  	s9 =	sadd.s32 $0xFFFFFEF7, lr;
	s5 =	simm.s32 $0xFFFFFFFF;
	p2 =	slt.u32 s8, $0xFFFFF086  }
0x1c: {  	p1 =	slt.u32 s9, $0xF7A;
	s5 =	simm.s32 @!p2 $0x0  }
0x1d: {  	s5 =	simm.s32 @p1 $0x1;
	p0 =	seq.s32 s7, s2  }
0x1e: {  	s7 =	smul.u32 @!p0 $0xF7A, s2;
	p2 =	seq.s32 @!p0 s5, $0x0  }
0x1f: {  	s9 =	smul.u32 $0xF7A, s1;
	s8 =	simm.s32 @!p0 $0x1BF5;
	p2 =	por !p2, p0  }
0x20: {  	[sflag:s8] =	ssyncset.s32 @!p0 $0xFFFFF086;
	s6 =	sadd.s32 @!p0 s3, s7;
	s7 =	simm.s32 @!p0 $0x108  }
0x21: {  	s3 =	sadd.s32 s3, s9;
	s6 =	sadd.s32 @!p0 $0x88, s6;
	s7 =	simm.s32 @p2 $0x1082  }
0x22: {  	[simem:s7], [sflag:s8] =	dma.local @!p0 [hbm:s6], $0xF7A  }
0x23: {  	s9 =	sor.u32 $0xD0000000, s2;
	s6 =	simm.s32 $0x108;
	_ =	swait.ge @!p0 [sflag:s8], $0x0  }
0x24: {  	s3 =	sadd.s32 $0x88, s3;
	s6 =	simm.s32 @!p1 $0x1082;
	[sflag:s4] =	ssyncset.s32 $0xFFFFF086  }
0x25: {  	[simem:s6], [sflag:s4] =	dma.local [hbm:s3], $0xF7A  }
0x26: {  	[smem:$0x3F90] =	sst s1;
	(tag) =	ssettag s2;
	_ =	strace s9  }
0x27: {  	s1 =	sld [smem:$0x3FA0]  }
0x28: {  	s2 =	sld [smem:$0x3FA1]  }
0x29: {  	s4 =	sld [smem:$0x3FA3]  }
0x2a: {  	p0 =	seq.s32 s5, $0x0;
	s5 =	sld [smem:$0x3FA4]  }
0x2b: {  	s6 =	sld [smem:$0x3FA5]  }
0x2c: {  	s7 =	sld [smem:$0x3FA6]  }
0x2d: {  	s3 =	simm.s32 $0x108;
	s8 =	sld [smem:$0x3FA7]  }
0x2e: {  	s3 =	simm.s32 @!p0 $0x1082;
	s9 =	sld [smem:$0x3FA8]  }
0x2f: {  	lr =	sadd.s32 s0, s3;
	s0 =	sld [smem:$0x3F9F]  }
0x30: {  	s3 =	sld [smem:$0x3FA2]  }
0x31: {  	[smem:$0x3FAB] =	sst s10  }
0x32: {  	s10 =	sld [smem:$0x3FA9];
	_ =	sdelay $0x3  }
0x33: {  	p0 =	seq.s32 s10, $0x1;
	s10 =	sld [smem:$0x3FAB];
	_ =	sdelay $0x3  }
0x34: {  	[smem:$0x3FAB] =	sst s10  }
0x35: {  	s10 =	sld [smem:$0x3FAA];
	_ =	sdelay $0x3  }
0x36: {  	p1 =	seq.s32 s10, $0x1;
	s10 =	sld [smem:$0x3FAB];
	_ =	sdelay $0x3  }
0x37: {  	[smem:$0x3FAB] =	sst s10  }
0x38: {  	s10 =	sld [smem:$0x3FAC]  }
0x39: {  	_ = 	snop;
	(pc) =	sbr.ind lr, $3  }
0x3a: {  	_ = 	snop  }
0x3b: {  	_ = 	snop  }
0x3c: {  	p2 =	seq.s32 s10, $0x1;
	s10 =	sld [smem:$0x3FAB]  }
0x3d: {  	_ =	shalt  }
0x3e: {  	_ =	shalt  }
0x3f: {  	_ =	shalt  }
0x40: {  	_ =	shalt  }
0x41: {  	_ =	shalt  }
0x42: {  	_ =	shalt  }
0x43: {  	_ =	shalt  }
0x44: {  	_ =	shalt  }
0x45: {  	_ =	shalt  }
0x46: {  	_ =	shalt  }
0x47: {  	_ =	shalt  }
0x48: {  	_ =	shalt  }
0x49: {  	_ =	shalt  }
0x4a: {  	_ =	shalt  }
0x4b: {  	_ =	shalt  }
0x4c: {  	_ =	shalt  }
0x4d: {  	_ =	shalt  }
0x4e: {  	_ =	shalt  }
0x4f: {  	_ =	shalt  }
0x50: {  	_ =	shalt  }
0x51: {  	_ =	shalt  }
0x52: {  	_ =	shalt  }
0x53: {  	_ =	shalt  }
0x54: {  	_ =	shalt  }
0x55: {  	_ =	shalt  }
0x56: {  	_ =	shalt  }
0x57: {  	_ =	shalt  }
0x58: {  	_ =	shalt  }
0x59: {  	_ =	shalt  }
0x5a: {  	_ =	shalt  }
0x5b: {  	_ =	shalt  }
0x5c: {  	_ =	shalt  }
0x5d: {  	_ =	shalt  }
0x5e: {  	_ =	shalt  }
0x5f: {  	_ =	shalt  }
0x60: {  	_ =	shalt  }
0x61: {  	_ =	shalt  }
0x62: {  	_ =	shalt  }
0x63: {  	_ =	shalt  }
0x64: {  	_ =	shalt  }
0x65: {  	_ =	shalt  }
0x66: {  	_ =	shalt  }
0x67: {  	_ =	shalt  }
0x68: {  	_ =	shalt  }
0x69: {  	_ =	shalt  }
0x6a: {  	_ =	shalt  }
0x6b: {  	_ =	shalt  }
0x6c: {  	_ =	shalt  }
0x6d: {  	_ =	shalt  }
0x6e: {  	_ =	shalt  }
0x6f: {  	_ =	shalt  }
0x70: {  	_ =	shalt  }
0x71: {  	_ =	shalt  }
0x72: {  	_ =	shalt  }
0x73: {  	_ =	shalt  }
0x74: {  	_ =	shalt  }
0x75: {  	_ =	shalt  }
0x76: {  	_ =	shalt  }
0x77: {  	_ =	shalt  }
0x78: {  	_ =	shalt  }
0x79: {  	_ =	shalt  }
0x7a: {  	_ =	shalt  }
0x7b: {  	_ =	shalt  }
0x7c: {  	_ =	shalt  }
0x7d: {  	_ =	shalt  }
0x7e: {  	_ =	shalt  }
0x7f: {  	_ =	shalt  }
0x80: {  	_ =	shalt  }
0x81: {  	_ =	shalt  }
0x82: {  	_ =	shalt  }
0x83: {  	_ =	shalt  }
0x84: {  	_ =	shalt  }
0x85: {  	_ =	shalt  }
0x86: {  	_ =	shalt  }
0x87: {  	_ =	shalt  }
.Lfunc_end0:
.L_simem_size_0:
called_computation.1_lowered:
.L_overlay_start_0:
0x88: {  	s2 =	sld [smem:$0x3FD9]  }
0x89: {  	s3 =	sld [smem:$0x3FFE];
	_ =	sdelay $0x1  }
0x8a: {  	s1 =	srdreg.scid  }
0x8b: {  	s0 =	sand.u32 $0x1, s1  }
0x8c: {  	s14 =	sshll.u32 s0, $0xA;
	s2 =	sadd.s32 s3, s2  }
0x8d: {  	s2 =	sadd.s32 s2, s14  }
0x8e: {  	[smem:$0x3FB7] =	sst s2  }
0x8f: {  	_ = 	snop  }
0x90: {  	s2 =	sld [smem:$0x3FD0];
	_ =	sdelay $0x2  }
0x91: {  	s15 =	simm.s32 $0xA;
	s4 =	simm.s32 $0x10  }
0x92: {  	[smem:s4], [sflag:s15] =	dma.local [hbm:s2], $0x1  }
0x93: {  	_ =	swait.eq [sflag:s15], $0x1  }
0x94: {  	[sflag:s15] =	ssyncset.done $0x0  }
0x95: {  	[sflag:s15] =	ssyncadd.s32 $0xFFFFFFFF  }
0x96: {  	s16 =	sld [smem:$0x11];
	(tm) =	ssettm $0x1  }
0x97: {  	s17 =	sld [smem:$0x3FFB];
	_ =	sdelay $0x3  }
0x98: {  	_ =	strace s17  }
0x99: {  	s3 =	sld [smem:$0x3FFC];
	_ =	sdelay $0x3  }
0x9a: {  	_ =	strace s3  }
0x9b: {  	s3 =	sld [smem:$0x3FFD];
	_ =	sdelay $0x3  }
0x9c: {  	_ =	strace s3  }
0x9d: {  	_ =	strace $0x8FFFFFFF  }
0x9e: {  	s18 =	sld [smem:$0x3FDB];
	_ =	sdelay $0x1  }
0x9f: {  	s19 =	simm.s32 $_scs_section_size  }
0xa0: {  	s5 =	simm.s32 $_size__tile_overlayer_lowered;
	s6 =	simm.s32 $_tile_overlayer_lowered  }
0xa1: {  	s22 =	simm.s32 $0x1BFF;
	s21 =	sshll.u32 s6, $0x1;
	s3 =	sadd.s32 s19, s18  }
0xa2: {  	s7 =	simm.s32 $0x0;
	s20 =	sshll.u32 s5, $0x1;
	s5 =	sadd.s32 s21, s3  }
0xa3: {  	[timem:s7], [sflag:s22] =	dma.local [hbm:s5], s20  }
0xa4: {  	_ =	swait.ge [sflag:s22], s20  }
0xa5: {  	s4 =	ssub.s32 $0x0, s20;
	[sflag:s22] =	ssyncset.done $0x0  }
0xa6: {  	[sflag:s22] =	ssyncadd.s32 s4;
	_ =	sdelay $0x1  }
0xa7: {  	s23 =	simm.s32 $0x1B8B  }
0xa8: {  	_ =	swait.ge [sflag:s23], $0x1  }
0xa9: {  	[sflag:s23] =	ssyncset.done $0x0  }
0xaa: {  	s25 =	simm.s32 $0x1B8E;
	s24 =	sld [smem:$0x3FFE];
	[sflag:s23] =	ssyncadd.s32 $0xFFFFFFFF  }
0xab: {  	s26 =	simm.s32 $execute0_lowered;
	[smem:$0x3FD2] =	sst s25  }
0xac: {  	s5 =	sshll.u32 s26, $0x1;
	_ =	strace $0x80000049;
	[dreg:$0x1] =	wrdreg $0xFFFFFFFF  }
0xad: {  	s28 =	simm.s32 $_size_execute0_lowered;
	s3 =	sadd.s32 s3, s5;
	[dreg:$0x0] =	wrdreg $0x0  }
0xae: {  	s5 =	sshll.u32 s28, $0x1;
	[dreg:$0x2] =	wrdreg s3  }
0xaf: {  	[dreg:$0x3] =	wrdreg s5  }
0xb0: {  	[dreg:$0x4] =	wrdreg $0xC0  }
0xb1: {  	_ =	task [dreg:s7], $0x5FFFF  }
0xb2: {  	[dreg:$0x1] =	wrdreg $0xFFFFFFFF  }
0xb3: {  	[dreg:$0x0] =	wrdreg $0x60  }
0xb4: {  	[dreg:$0x2] =	wrdreg s24  }
0xb5: {  	[dreg:$0x3] =	wrdreg s16  }
0xb6: {  	[dreg:$0x4] =	wrdreg $0xA4000  }
0xb7: {  	[dreg:$0x5] =	wrdreg $0x9  }
0xb8: {  	_ =	task.clear_ibuf [dreg:s7], $0x6FFFF;
	_ =	strace $0x90000049  }
0xb9: {  	s29 =	simm.s32 $0x9;
	_ =	strace $0x8000004B  }
0xba: {  	_ =	swait.ge [sflag:s29], $0x1  }
0xbb: {  	[sflag:s29] =	ssyncadd.s32 $0xFFFFFFFF  }
0xbc: {  	_ =	strace $0x9000004B  }
0xbd: {  	_ =	sfence  }
0xbe: {  	s30 =	sld [smem:$0x0];
	_ =	sdelay $0x2  }
0xbf: {  	s31 =	sshll.u32 s1, $0xD;
	s1 =	sshrl.u32 s1, $0x2  }
0xc0: {  	s3 =	sand.u32 $0x4000, s31;
	s1 =	sadd.s32 s1, s30  }
0xc1: {  	s0 =	sor.u32 s3, s0;
	s1 =	sshll.u32 s1, $0x11  }
0xc2: {  	s0 =	sor.u32 s1, s0  }
0xc3: {  	s0 =	sadd.s32 $0x8F2B, s0  }
0xc4: {  	[sflag:s0] =	ssyncadd.remote.s32 $0x1  }
0xc5: {  	_ =	sfence.sel $0xFFFF  }
0xc6: {  	[dreg:$0x0] =	wrdreg $0xFFFFFFFF;
	(pc) =	sbr.abs _section_cstart, $3  }
0xc7: {  	[dreg:$0x1] =	wrdreg $0xFFFFFFFF  }
0xc8: {  	_ =	task.clear_ibuf [dreg:s7], $0x2FFFF;
	_ =	strace $0x9FFFFFFF  }
0xc9: {  	(tm) =	ssettm $0x7FFFFFFF  }
tec
execute0_lowered:
.L_overlay_start_1:
0x0: {  	(tag) =	ssettag $0x1  }
0x1: {  	s0 =	rddreg [dreg:$0x0]  }
0x2: {  	s1 =	rddreg [dreg:$0x1]  }
0x3: {  	s3 =	rddreg [dreg:$0x2];
	s4 =	simm.s32 $0x0  }
0x4: {  	s12 =	stileid.u32;
	s2 =	srdreg.scid;
	s28 =	simm.s32 $0x5  }
0x5: {  	s29 =	simm.s32 $0x100;
	s30 =	simm.s32 $0x300;
	s31 =	simm.s32 $0x2  }
0x6: {  	s14 =	simm.s32 $0x9;
	s15 =	simm.s32 $0x4;
	[smem:$0x7FF] =	sst s4  }
0x7: {  	s8 =	smul.u32 $0x2700, s12;
	s2 =	sand.u32 $0x1, s2;
	s6 =	sadd.s32 $0xD200, s0  }
0x8: {  	s7 =	sadd.s32 $0x3400, s0;
	s10 =	smul.u32 $0x4E000, s12;
	s17 =	sshll.u32 s12, $0x6  }
0x9: {  	p0 =	sne.s32 s12, $0xF;
	_ =	strace $0x8000004A;
	s5 =	smul.u32 $0x27100, s2  }
0xa: {  	s16 =	sshll.u32 s2, $0x4;
	s2 =	ssub.s32 $0x2, s2;
	s19 =	sor.u32 $0x1C0D, s17  }
0xb: {  	s17 =	simm.s32 $0x7C00;
	[dreg:$0x6] =	wrdreg s8;
	s9 =	sadd.s32 s8, s0  }
0xc: {  	s8 =	sor.u32 s12, s16;
	s11 =	sshrl.u32 s2, $0x1;
	s10 =	sshrl.u32 s10, $0x2  }
0xd: {  	s12 =	simm.s32 $0x5400;
	s16 =	simm.s32 $0x8;
	[dreg:$0x8] =	wrdreg s19  }
0xe: {  	s5 =	sadd.s32 s5, s0;
	s8 =	smul.u32 $0x2710, s8;
	s9 =	sadd.s32 $0x17000, s9  }
0xf: {  	s2 =	ssub.s32 s2, s11;
	s0 =	sadd.s32 $0x3E000, s0;
	[dreg:$0x7] =	wrdreg s9  }
0x10: {  	s10 =	sadd.s32 s10, s3;
	s11 =	sadd.s32 $0x138000, s3;
	[dreg:$0x9] =	wrdreg s0  }
0x11: {  	s25 =	sadd.s32 $0x3E200, s5;
	s26 =	smax.u32 s2, $0x1;
	s2 =	simm.s32 $0x6  }
0x12: {  	s5 =	simm.s32 $0x180;
	s9 =	simm.s32 $0x380;
	[dreg:$0xe] =	wrdreg s25  }
0x13: {  	s18 =	sshrl.u32 s8, $0x3;
	s23 =	sadd.s32 $0x140, s8;
	[dreg:$0xf] =	wrdreg s26  }
0x14: {  	s24 =	sadd.s32 $0x190, s8;
	s26 =	simm.s32 $0x280;
	[dreg:$0x4] =	wrdreg s23  }
0x15: {  	s25 =	simm.s32 $0x50;
	s20 =	sadd.s32 s6, s18;
	[dreg:$0x5] =	wrdreg s24  }
0x16: {  	s21 =	sadd.s32 s7, s18;
	s22 =	sadd.s32 $0xA, s18;
	[dreg:$0xa] =	wrdreg s20  }
0x17: {  	s23 =	sshrl.u32 @!p0 s11, $0x3;
	s24 =	simm.s32 $0x1;
	[dreg:$0xb] =	wrdreg s21  }
0x18: {  	s11 =	simm.s32 $0x3;
	s13 =	sadd.s32 s6, s22;
	[dreg:$0x11] =	wrdreg s23  }
0x19: {  	s18 =	simm.s32 $0xA;
	s0 =	sadd.s32 s7, s22;
	[dreg:$0xc] =	wrdreg s13  }
0x1a: {  	s21 =	sshrl.u32 s10, $0x3;
	s10 =	simm.s32 $0x0;
	[dreg:$0xd] =	wrdreg s0  }
0x1b: {  	s22 =	simm.s32 $0xD;
	s20 =	simm.s32 $0x80;
	[dreg:$0x12] =	wrdreg s10  }
0x1c: {  	s0 =	simm.s32 $0x2C00;
	s13 =	simm.s32 $0x7;
	[dreg:$0x10] =	wrdreg s21  }
.LBB2_1:
0x1d: {  	s10 =	rddreg [dreg:$0x7]  }
0x1e: {  	[spmem:s21], [sflag:s19] =	dma.local [hbm:s10], $0x2700  }
0x1f: {  	_ =	swait.ge [sflag:s22], $0x2700  }
0x20: {  	[sflag:s22] =	ssyncset.done $0x0  }
0x21: {  	s10 =	rddreg [dreg:$0x9];
	[sflag:s22] =	ssyncadd.s32 $0xFFFFD900  }
0x22: {  	[spmem:s23], [sflag:s19] =	dma.local @!p0 [hbm:s10], $0x100  }
0x23: {  	s10 =	simm.s32 @!p0 $0xD  }
0x24: {  	_ =	swait.ge @!p0 [sflag:s10], $0x100  }
0x25: {  	[sflag:s10] =	ssyncset.done @!p0 $0x0  }
0x26: {  	[sflag:s10] =	ssyncadd.s32 @!p0 $0xFFFFFF00  }
0x27: {  	[bflag:$0x0] =	sbarrier.arrive $0xFFFF  }
0x28: {  	s22 =	rddreg [dreg:$0xa]  }
0x29: {  	[tilespmem:s4], [sflag:$0x1] =	stream.linear.gather [hbm4b:s22+s4], $0x50, $0x38;
	[tilespmem:$0x1DC80] =	vst v63  }
0x2a: {  	s21 =	simm.s32 $0x200;
	s23 =	rddreg [dreg:$0xb]  }
0x2b: {  	[tilespmem:s21], [sflag:$0x1] =	stream.linear.gather [hbm4b:s23+s4], $0x50, $0x38;
	[tilespmem:$0x1DC80] =	vst v63  }
0x2c: {  	s19 =	rddreg [dreg:$0xc]  }
0x2d: {  	[tilespmem:s20], [sflag:$0x2] =	stream.linear.gather [hbm4b:s19+s4], $0x50, $0x38;
	[tilespmem:$0x1DC80] =	vst v63  }
0x2e: {  	s22 =	rddreg [dreg:$0xd]  }
0x2f: {  	[tilespmem:s26], [sflag:$0x2] =	stream.linear.gather [hbm4b:s22+s4], $0x50, $0x38;
	[tilespmem:$0x1DC80] =	vst v63  }
0x30: {  	_ =	swait.ge [sflag:s24], $0x50  }
0x31: {  	[sflag:s24] =	ssyncset.done $0x0  }
0x32: {  	[sflag:s24] =	ssyncadd.s32 $0xFFFFFFB0  }
0x33: {  	_ =	swait.ge [sflag:s24], $0x50  }
0x34: {  	[sflag:s24] =	ssyncset.done $0x0  }
0x35: {  	s23 =	simm.s32 $0x400;
	[sflag:s24] =	ssyncadd.s32 $0xFFFFFFB0  }
0x36: {  	[tilespmem:s23], [sflag:$0x5] =	stream.indirect.gather [hbm4b:s1+s25], $0x80, s4, s25, $0xb8;
	[tilespmem:$0x1DC80] =	vst v63  }
0x37: {  	p1 =	por $0x1, $0x1;
	_ =	swait.ge [sflag:s28], $0x2800  }
0x38: {  	s10 =	simm.s32 @!p1 $0xA0;
	[sflag:s28] =	ssyncset.done $0x0  }
0x39: {  	s10 =	simm.s32 @p1 $0xA0;
	s19 =	simm.s32 @!p1 $0xB;
	[sflag:s28] =	ssyncadd.s32 $0xFFFFD800  }
0x3a: {  	[spmem:s3] =	stream.indirect.scatter.add.f32 [tilespmem:s23], [sflag:$0x9], $0x80, s21, s25, $0xb8;
	[tilespmem:$0x1DC80] =	vst v63  }
0x3b: {  	s10 =	sadd.s32 s8, s10;
	_ =	swait.ge @!p1 [sflag:s19], $0x2800  }
0x3c: {  	s10 =	sshrl.u32 s10, $0x3;
	[sflag:s19] =	ssyncset.done @!p1 $0x0  }
0x3d: {  	s23 =	sadd.s32 s6, s10;
	[sflag:s19] =	ssyncadd.s32 @!p1 $0xFFFFD800  }
0x3e: {  	[tilespmem:s29], [sflag:$0x3] =	stream.linear.gather [hbm4b:s23+s4], $0x50, $0x38;
	[tilespmem:$0x1DC80] =	vst v63  }
0x3f: {  	s10 =	sadd.s32 s7, s10  }
0x40: {  	[tilespmem:s30], [sflag:$0x3] =	stream.linear.gather [hbm4b:s10+s4], $0x50, $0x38;
	[tilespmem:$0x1DC80] =	vst v63  }
0x41: {  	_ =	swait.ge [sflag:s31], $0x50  }
0x42: {  	[sflag:s31] =	ssyncset.done $0x0  }
0x43: {  	[sflag:s31] =	ssyncadd.s32 $0xFFFFFFB0  }
0x44: {  	_ =	swait.ge [sflag:s31], $0x50  }
0x45: {  	[sflag:s31] =	ssyncset.done $0x0  }
0x46: {  	[sflag:s31] =	ssyncadd.s32 $0xFFFFFFB0  }
0x47: {  	[tilespmem:s0], [sflag:$0x6] =	stream.indirect.gather [hbm4b:s1+s25], $0x80, s20, s25, $0xb8;
	[tilespmem:$0x1DC80] =	vst v63  }
0x48: {  	_ =	swait.ge [sflag:s2], $0x2800  }
0x49: {  	s10 =	simm.s32 @!p1 $0xF0;
	[sflag:s2] =	ssyncset.done $0x0  }
0x4a: {  	s19 =	simm.s32 @!p1 $0xC;
	s10 =	simm.s32 @p1 $0xF0;
	[sflag:s2] =	ssyncadd.s32 $0xFFFFD800  }
0x4b: {  	[spmem:s3] =	stream.indirect.scatter.add.f32 [tilespmem:s0], [sflag:$0xA], $0x80, s26, s25, $0xb8;
	[tilespmem:$0x1DC80] =	vst v63  }
0x4c: {  	s10 =	sadd.s32 s8, s10;
	_ =	swait.ge @!p1 [sflag:s19], $0x2800  }
0x4d: {  	s10 =	sshrl.u32 s10, $0x3;
	[sflag:s19] =	ssyncset.done @!p1 $0x0  }
0x4e: {  	s22 =	sadd.s32 s6, s10;
	[sflag:s19] =	ssyncadd.s32 @!p1 $0xFFFFD800  }
0x4f: {  	[tilespmem:s5], [sflag:$0x4] =	stream.linear.gather [hbm4b:s22+s4], $0x50, $0x38;
	[tilespmem:$0x1DC80] =	vst v63  }
0x50: {  	s10 =	sadd.s32 s7, s10  }
0x51: {  	[tilespmem:s9], [sflag:$0x4] =	stream.linear.gather [hbm4b:s10+s4], $0x50, $0x38;
	[tilespmem:$0x1DC80] =	vst v63  }
0x52: {  	_ =	swait.ge [sflag:s11], $0x50  }
0x53: {  	[sflag:s11] =	ssyncset.done $0x0  }
0x54: {  	[sflag:s11] =	ssyncadd.s32 $0xFFFFFFB0  }
0x55: {  	_ =	swait.ge [sflag:s11], $0x50  }
0x56: {  	[sflag:s11] =	ssyncset.done $0x0  }
0x57: {  	[sflag:s11] =	ssyncadd.s32 $0xFFFFFFB0  }
0x58: {  	[tilespmem:s12], [sflag:$0x7] =	stream.indirect.gather [hbm4b:s1+s25], $0x80, s29, s25, $0xb8;
	[tilespmem:$0x1DC80] =	vst v63  }
0x59: {  	_ =	swait.ge [sflag:s13], $0x2800  }
0x5a: {  	[sflag:s13] =	ssyncset.done $0x0  }
0x5b: {  	[sflag:s13] =	ssyncadd.s32 $0xFFFFD800  }
0x5c: {  	[spmem:s3] =	stream.indirect.scatter.add.f32 [tilespmem:s12], [sflag:$0xB], $0x80, s30, s25, $0xb8;
	[tilespmem:$0x1DC80] =	vst v63  }
0x5d: {  	s19 =	simm.s32 $0x0;
	_ =	swait.ge [sflag:s14], $0x2800  }
0x5e: {  	s19 =	simm.s32 @p1 $0x0;
	s23 =	rddreg [dreg:$0x4]  }
0x5f: {  	s10 =	sadd.s32 s19, s23  }
0x60: {  	[sflag:s14] =	ssyncset.done $0x0;
	s10 =	sshrl.u32 s10, $0x3  }
0x61: {  	[sflag:s14] =	ssyncadd.s32 $0xFFFFD800;
	s26 =	sadd.s32 s6, s10  }
0x62: {  	[tilespmem:s4], [sflag:$0x1] =	stream.linear.gather [hbm4b:s26+s4], $0x50, $0x38;
	[tilespmem:$0x1DC80] =	vst v63  }
0x63: {  	s10 =	sadd.s32 s7, s10  }
0x64: {  	[tilespmem:s21], [sflag:$0x1] =	stream.linear.gather [hbm4b:s10+s4], $0x50, $0x38;
	[tilespmem:$0x1DC80] =	vst v63  }
0x65: {  	_ =	swait.ge [sflag:s15], $0x50  }
0x66: {  	[sflag:s15] =	ssyncset.done $0x0  }
0x67: {  	[sflag:s15] =	ssyncadd.s32 $0xFFFFFFB0  }
0x68: {  	_ =	swait.ge [sflag:s15], $0x50  }
0x69: {  	[sflag:s15] =	ssyncset.done $0x0  }
0x6a: {  	[sflag:s15] =	ssyncadd.s32 $0xFFFFFFB0  }
0x6b: {  	[tilespmem:s17], [sflag:$0x8] =	stream.indirect.gather [hbm4b:s1+s25], $0x80, s5, s25, $0xb8;
	[tilespmem:$0x1DC80] =	vst v63  }
0x6c: {  	_ =	swait.ge [sflag:s16], $0x2800  }
0x6d: {  	[sflag:s16] =	ssyncset.done $0x0  }
0x6e: {  	[sflag:s16] =	ssyncadd.s32 $0xFFFFD800  }
0x6f: {  	[spmem:s3] =	stream.indirect.scatter.add.f32 [tilespmem:s17], [sflag:$0xC], $0x80, s9, s25, $0xb8;
	[tilespmem:$0x1DC80] =	vst v63  }
0x70: {  	_ =	swait.ge [sflag:s18], $0x2800  }
0x71: {  	p1 =	por $0x0, $0x0;
	s10 =	rddreg [dreg:$0x5]  }
0x72: {  	s10 =	sadd.s32 @!p1 s19, s10  }
0x73: {  	s20 =	simm.s32 @!p1 $0x0;
	[sflag:s18] =	ssyncset.done $0x0;
	s10 =	sshrl.u32 @!p1 s10, $0x3  }
0x74: {  	s21 =	simm.s32 @!p1 $0x80;
	[sflag:s18] =	ssyncadd.s32 $0xFFFFD800;
	s19 =	sadd.s32 @!p1 s6, s10  }
0x75: {  	[tilespmem:s21], [sflag:$0x2] =	stream.linear.gather @!p1 [hbm4b:s19+s20], $0x50, $0x38;
	[tilespmem:$0x1DC80] =	vst v63  }
0x76: {  	s10 =	sadd.s32 @!p1 s7, s10;
	s19 =	simm.s32 @!p1 $0x280  }
0x77: {  	[tilespmem:s19], [sflag:$0x2] =	stream.linear.gather @!p1 [hbm4b:s10+s20], $0x50, $0x38;
	[tilespmem:$0x1DC80] =	vst v63  }
0x78: {  	_ =	swait.ge [sflag:s24], $0x50  }
0x79: {  	[sflag:s24] =	ssyncset.done $0x0  }
0x7a: {  	[sflag:s24] =	ssyncadd.s32 $0xFFFFFFB0  }
0x7b: {  	_ =	swait.ge [sflag:s24], $0x50  }
0x7c: {  	s19 =	simm.s32 $0x140;
	[sflag:s24] =	ssyncset.done $0x0  }
.LBB2_2:
0x7d: {  	[sflag:s24] =	ssyncadd.s32 $0xFFFFFFB0;
	s10 =	smov.u32 s19;
	s26 =	simm.s32 $0x400  }
0x7e: {  	[tilespmem:s26], [sflag:$0x5] =	stream.indirect.gather [hbm4b:s1+s25], $0x80, s4, s25, $0xb8;
	[tilespmem:$0x1DC80] =	vst v63  }
0x7f: {  	p2 =	seq.s32 s10, $0x0;
	_ =	swait.ge [sflag:s28], $0x2800  }
0x80: {  	s21 =	simm.s32 $0x200;
	s20 =	sadd.s32 @!p2 $0xA0, s10;
	[sflag:s28] =	ssyncset.done $0x0  }
0x81: {  	s23 =	simm.s32 @!p2 $0xB;
	s20 =	simm.s32 @p2 $0xA0;
	[sflag:s28] =	ssyncadd.s32 $0xFFFFD800  }
0x82: {  	[spmem:s3] =	stream.indirect.scatter.add.f32 [tilespmem:s26], [sflag:$0x9], $0x80, s21, s25, $0xb8;
	[tilespmem:$0x1DC80] =	vst v63  }
0x83: {  	s20 =	sadd.s32 s8, s20;
	_ =	swait.ge @!p2 [sflag:s23], $0x2800  }
0x84: {  	s20 =	sshrl.u32 s20, $0x3;
	[sflag:s23] =	ssyncset.done @!p2 $0x0  }
0x85: {  	s26 =	sadd.s32 s6, s20;
	[sflag:s23] =	ssyncadd.s32 @!p2 $0xFFFFD800  }
0x86: {  	[tilespmem:s29], [sflag:$0x3] =	stream.linear.gather [hbm4b:s26+s4], $0x50, $0x38;
	[tilespmem:$0x1DC80] =	vst v63  }
0x87: {  	s20 =	sadd.s32 s7, s20  }
0x88: {  	[tilespmem:s30], [sflag:$0x3] =	stream.linear.gather [hbm4b:s20+s4], $0x50, $0x38;
	[tilespmem:$0x1DC80] =	vst v63  }
0x89: {  	_ =	swait.ge [sflag:s31], $0x50  }
0x8a: {  	[sflag:s31] =	ssyncset.done $0x0  }
0x8b: {  	[sflag:s31] =	ssyncadd.s32 $0xFFFFFFB0  }
0x8c: {  	_ =	swait.ge [sflag:s31], $0x50  }
0x8d: {  	[sflag:s31] =	ssyncset.done $0x0  }
0x8e: {  	s23 =	simm.s32 $0x80;
	[sflag:s31] =	ssyncadd.s32 $0xFFFFFFB0  }
0x8f: {  	[tilespmem:s0], [sflag:$0x6] =	stream.indirect.gather [hbm4b:s1+s25], $0x80, s23, s25, $0xb8;
	[tilespmem:$0x1DC80] =	vst v63  }
0x90: {  	s22 =	sadd.s32 @!p2 $0xF0, s10;
	_ =	swait.ge [sflag:s2], $0x2800  }
0x91: {  	s22 =	simm.s32 @p2 $0xF0;
	[sflag:s2] =	ssyncset.done $0x0  }
0x92: {  	s26 =	simm.s32 $0x280;
	s20 =	simm.s32 @!p2 $0xC;
	[sflag:s2] =	ssyncadd.s32 $0xFFFFD800  }
0x93: {  	[spmem:s3] =	stream.indirect.scatter.add.f32 [tilespmem:s0], [sflag:$0xA], $0x80, s26, s25, $0xb8;
	[tilespmem:$0x1DC80] =	vst v63  }
0x94: {  	s22 =	sadd.s32 s8, s22;
	_ =	swait.ge @!p2 [sflag:s20], $0x2800  }
0x95: {  	s22 =	sshrl.u32 s22, $0x3;
	[sflag:s20] =	ssyncset.done @!p2 $0x0  }
0x96: {  	s26 =	sadd.s32 s6, s22;
	[sflag:s20] =	ssyncadd.s32 @!p2 $0xFFFFD800  }
0x97: {  	[tilespmem:s5], [sflag:$0x4] =	stream.linear.gather [hbm4b:s26+s4], $0x50, $0x38;
	[tilespmem:$0x1DC80] =	vst v63  }
0x98: {  	s22 =	sadd.s32 s7, s22  }
0x99: {  	[tilespmem:s9], [sflag:$0x4] =	stream.linear.gather [hbm4b:s22+s4], $0x50, $0x38;
	[tilespmem:$0x1DC80] =	vst v63  }
0x9a: {  	_ =	swait.ge [sflag:s11], $0x50  }
0x9b: {  	[sflag:s11] =	ssyncset.done $0x0  }
0x9c: {  	[sflag:s11] =	ssyncadd.s32 $0xFFFFFFB0  }
0x9d: {  	_ =	swait.ge [sflag:s11], $0x50  }
0x9e: {  	[sflag:s11] =	ssyncset.done $0x0  }
0x9f: {  	[sflag:s11] =	ssyncadd.s32 $0xFFFFFFB0  }
0xa0: {  	[tilespmem:s12], [sflag:$0x7] =	stream.indirect.gather [hbm4b:s1+s25], $0x80, s29, s25, $0xb8;
	[tilespmem:$0x1DC80] =	vst v63  }
0xa1: {  	_ =	swait.ge [sflag:s13], $0x2800  }
0xa2: {  	[sflag:s13] =	ssyncset.done $0x0  }
0xa3: {  	[sflag:s13] =	ssyncadd.s32 $0xFFFFD800  }
0xa4: {  	[spmem:s3] =	stream.indirect.scatter.add.f32 [tilespmem:s12], [sflag:$0xB], $0x80, s30, s25, $0xb8;
	[tilespmem:$0x1DC80] =	vst v63  }
0xa5: {  	s22 =	smov.u32 s10;
	_ =	swait.ge [sflag:s14], $0x2800  }
0xa6: {  	s22 =	simm.s32 @p2 $0x0;
	s23 =	rddreg [dreg:$0x4]  }
0xa7: {  	s20 =	sadd.s32 s22, s23  }
0xa8: {  	[sflag:s14] =	ssyncset.done $0x0;
	s20 =	sshrl.u32 s20, $0x3  }
0xa9: {  	[sflag:s14] =	ssyncadd.s32 $0xFFFFD800;
	s26 =	sadd.s32 s6, s20  }
0xaa: {  	[tilespmem:s4], [sflag:$0x1] =	stream.linear.gather [hbm4b:s26+s4], $0x50, $0x38;
	[tilespmem:$0x1DC80] =	vst v63  }
0xab: {  	s20 =	sadd.s32 s7, s20  }
0xac: {  	[tilespmem:s21], [sflag:$0x1] =	stream.linear.gather [hbm4b:s20+s4], $0x50, $0x38;
	[tilespmem:$0x1DC80] =	vst v63  }
0xad: {  	_ =	swait.ge [sflag:s15], $0x50  }
0xae: {  	[sflag:s15] =	ssyncset.done $0x0  }
0xaf: {  	[sflag:s15] =	ssyncadd.s32 $0xFFFFFFB0  }
0xb0: {  	_ =	swait.ge [sflag:s15], $0x50  }
0xb1: {  	[sflag:s15] =	ssyncset.done $0x0  }
0xb2: {  	[sflag:s15] =	ssyncadd.s32 $0xFFFFFFB0  }
0xb3: {  	[tilespmem:s17], [sflag:$0x8] =	stream.indirect.gather [hbm4b:s1+s25], $0x80, s5, s25, $0xb8;
	[tilespmem:$0x1DC80] =	vst v63  }
0xb4: {  	_ =	swait.ge [sflag:s16], $0x2800  }
0xb5: {  	[sflag:s16] =	ssyncset.done $0x0  }
0xb6: {  	[sflag:s16] =	ssyncadd.s32 $0xFFFFD800  }
0xb7: {  	[spmem:s3] =	stream.indirect.scatter.add.f32 [tilespmem:s17], [sflag:$0xC], $0x80, s9, s25, $0xb8;
	[tilespmem:$0x1DC80] =	vst v63  }
0xb8: {  	_ =	swait.ge [sflag:s18], $0x2800  }
0xb9: {  	p2 =	seq.s32 s10, $0x2580;
	s20 =	rddreg [dreg:$0x5]  }
0xba: {  	s19 =	sadd.s32 $0x140, s19;
	s10 =	sadd.s32 @!p2 s22, s20  }
0xbb: {  	[sflag:s18] =	ssyncset.done $0x0;
	s20 =	simm.s32 @!p2 $0x80;
	s10 =	sshrl.u32 @!p2 s10, $0x3  }
0xbc: {  	[sflag:s18] =	ssyncadd.s32 $0xFFFFD800;
	s22 =	simm.s32 @!p2 $0x0;
	s23 =	sadd.s32 @!p2 s6, s10  }
0xbd: {  	[tilespmem:s20], [sflag:$0x2] =	stream.linear.gather @!p2 [hbm4b:s23+s22], $0x50, $0x38;
	[tilespmem:$0x1DC80] =	vst v63  }
0xbe: {  	p1 =	sne.s32 s19, $0x26C0;
	s21 =	simm.s32 @!p2 $0x280;
	s10 =	sadd.s32 @!p2 s7, s10  }
0xbf: {  	[tilespmem:s21], [sflag:$0x2] =	stream.linear.gather @!p2 [hbm4b:s10+s22], $0x50, $0x38;
	[tilespmem:$0x1DC80] =	vst v63  }
.Ltmp0:
0xc0: {  	_ =	swait.ge [sflag:s24], $0x50;
	(pc) =	sbr.rel @p1 .LBB2_2-.Ltmp0, $4  }
0xc1: {  	[sflag:s24] =	ssyncset.done $0x0  }
0xc2: {  	[sflag:s24] =	ssyncadd.s32 $0xFFFFFFB0  }
0xc3: {  	_ =	swait.ge [sflag:s24], $0x50  }
0xc4: {  	s26 =	simm.s32 $0x200;
	[sflag:s24] =	ssyncset.done $0x0  }
0xc5: {  	[sflag:s24] =	ssyncadd.s32 $0xFFFFFFB0;
	s10 =	simm.s32 $0x400  }
0xc6: {  	[tilespmem:s10], [sflag:$0x5] =	stream.indirect.gather [hbm4b:s1+s25], $0x80, s4, s25, $0xb8;
	[tilespmem:$0x1DC80] =	vst v63  }
0xc7: {  	_ =	swait.ge [sflag:s28], $0x2800  }
0xc8: {  	[sflag:s28] =	ssyncset.done $0x0  }
0xc9: {  	s23 =	simm.s32 $0xB;
	[sflag:s28] =	ssyncadd.s32 $0xFFFFD800  }
0xca: {  	[spmem:s3] =	stream.indirect.scatter.add.f32 [tilespmem:s10], [sflag:$0x9], $0x80, s26, s25, $0xb8;
	[tilespmem:$0x1DC80] =	vst v63  }
0xcb: {  	_ =	swait.ge [sflag:s23], $0x2800  }
0xcc: {  	[sflag:s23] =	ssyncset.done $0x0  }
0xcd: {  	s26 =	simm.s32 $0xC;
	[sflag:s23] =	ssyncadd.s32 $0xFFFFD800  }
0xce: {  	_ =	swait.ge [sflag:s26], $0x2800  }
0xcf: {  	[sflag:s26] =	ssyncset.done $0x0  }
0xd0: {  	[sflag:s26] =	ssyncadd.s32 $0xFFFFD800  }
0xd1: {  	_ =	swait.ge [sflag:s14], $0x2800  }
0xd2: {  	[sflag:s14] =	ssyncset.done $0x0  }
0xd3: {  	[sflag:s14] =	ssyncadd.s32 $0xFFFFD800  }
0xd4: {  	[bflag:$0x0] =	sbarrier.arrive $0xFFFF  }
0xd5: {  	s19 =	rddreg [dreg:$0x6]  }
0xd6: {  	s20 =	rddreg [dreg:$0xe]  }
0xd7: {  	s21 =	rddreg [dreg:$0x10]  }
0xd8: {  	s22 =	simm.s32 $0xD;
	s10 =	sadd.s32 s19, s20;
	s19 =	rddreg [dreg:$0x8]  }
0xd9: {  	[hbm:s10], [sflag:s19] =	dma.local [spmem:s21], $0x2700  }
0xda: {  	_ =	swait.ge [sflag:s22], $0x2700  }
0xdb: {  	[sflag:s22] =	ssyncset.done $0x0  }
0xdc: {  	s10 =	sadd.s32 @!p0 $0x27000, s20;
	s23 =	rddreg [dreg:$0x11];
	[sflag:s22] =	ssyncadd.s32 $0xFFFFD900  }
0xdd: {  	[hbm:s10], [sflag:s19] =	dma.local @!p0 [spmem:s23], $0x100  }
0xde: {  	s10 =	simm.s32 @!p0 $0xD  }
0xdf: {  	_ =	swait.ge @!p0 [sflag:s10], $0x100  }
0xe0: {  	s20 =	rddreg [dreg:$0x12]  }
0xe1: {  	s26 =	sadd.s32 $0x1, s20;
	s20 =	rddreg [dreg:$0xf]  }
0xe2: {  	p1 =	sne.s32 s26, s20  }
.Ltmp1:
0xe3: {  	_ = 	snop;
	(pc) =	sbr.rel @p1 .LBB2_1-.Ltmp1, $4  }
0xe4: {  	_ = 	snop  }
0xe5: {  	[sflag:s10] =	ssyncset.done @!p0 $0x0  }
0xe6: {  	[sflag:s10] =	ssyncadd.s32 @!p0 $0xFFFFFF00  }
0xe7: {  	[dreg:$0x12] =	wrdreg s26;
	s20 =	simm.s32 $0x80;
	s26 =	simm.s32 $0x280  }
0xe8: {  	_ =	sfence.sel $0x180000  }
0xe9: {  	[bflag:$0x0] =	sbarrier.arrive $0xFFFF  }
0xea: {  	_ =	strace $0x9000004A  }
0xeb: {  	s0 =	stileid.u32;
	[bflag:$0x2] =	sbarrier.arrive $0xFFFF  }
0xec: {  	p0 =	sne.s32 s0, $0x0;
	s0 =	rddreg [dreg:$0x3]  }
0xed: {  	s0 =	sadd.s32 @!p0 $0x100000, s0  }
0xee: {  	[sflag:s0] =	ssyncadd.tile.s32 @!p0 $0x1;
	_ =	shalt  }
.Lfunc_end2:
_tile_overlayer_lowered:
.L_overlay_start_2:
0xef: {  	(tag) =	ssettag $0x2  }
0xf0: {  	s0 =	rddreg [dreg:$0x0];
	s2 =	stileid.u32  }
0xf1: {  	s1 =	rddreg [dreg:$0x1];
	p0 =	sne.s32 s2, $0x0  }
0xf2: {  	s3 =	rddreg [dreg:$0x2];
	[bflag:$0x3] =	sbarrier.arrive $0xFFFF;
	s2 =	simm.s32 @!p0 $0x1C0D  }
0xf3: {  	[timem:s3], [sflag:s2] =	dma.local @!p0 [hbm:s0], s1  }
0xf4: {  	s0 =	simm.s32 @!p0 $0xD  }
0xf5: {  	_ =	swait.ge @!p0 [sflag:s0], s1  }
0xf6: {  	s1 =	ssub.s32 @!p0 $0x0, s1;
	[sflag:s0] =	ssyncset.done @!p0 $0x0  }
0xf7: {  	[sflag:s0] =	ssyncadd.s32 @!p0 s1  }
0xf8: {  	[bflag:$0x3] =	sbarrier.arrive $0xFFFF  }
0xf9: {  	_ =	shalt  }

</sc_bundles>
